<compile_context>
chip_gen: v7x
topology: tpu7x:2x2x1
jax: 0.10.2.dev20260603
libtpu: 0.0.44.dev20260713+nightly
codegen_flags: <defaults>
</compile_context>

<pallas_src>
import functools

import jax
import jax.numpy as jnp
from jax import lax
from jax.experimental import pallas as pl
from jax.experimental.pallas import tpu as pltpu
from jax.experimental.pallas import tpu_sc as plsc

_TOPS = 10
_SAMP = 64
_TEMP = 0.07
_NEG = float("-inf")


def _pick_bk(k_total):
    for bk in range(min(k_total, 2048), 7, -1):
        if k_total % bk == 0 and bk % 8 == 0:
            return bk
    return k_total



def _phase_a_body(scene_ref, graph_ref, md_ref, y_ref, smean_ref, carry_ref):
    nq = scene_ref.shape[0]
    bk = graph_ref.shape[0]
    nblk = pl.num_programs(0)
    k = pl.program_id(0)

    @pl.when(k == 0)
    def _init():
        carry_ref[...] = jnp.full((nq, 16), _NEG, jnp.float32)
        smean_ref[...] = jnp.mean(scene_ref[...], axis=0, keepdims=True)

    sim = lax.dot_general(
        scene_ref[...], graph_ref[...],
        dimension_numbers=(((1,), (1,)), ((), ())),
        preferred_element_type=jnp.float32)

    li = lax.broadcasted_iota(jnp.int32, (nq, bk), 1)
    sl = lax.broadcasted_iota(jnp.int32, (nq, 16), 1)
    carry0 = carry_ref[...]

    def cond(state):
        _x, _c, anyq, i = state
        return jnp.logical_and(anyq, i < _TOPS)

    def body(state):
        x, c, _aq, i = state
        m = jnp.max(x, axis=1, keepdims=True)
        idx = jnp.min(jnp.where(x == m, li, bk), axis=1, keepdims=True)
        x = jnp.where(li == idx, _NEG, x)
        pos = jnp.sum((c > m).astype(jnp.int32), axis=1, keepdims=True)
        sv = jnp.concatenate(
            [jnp.full((nq, 1), _NEG, jnp.float32), c[:, :15]], axis=1)
        c = jnp.where(sl < pos, c, jnp.where(sl == pos, m, sv))
        t = c[:, _TOPS - 1:_TOPS]
        anyq = jnp.any(jnp.max(x, axis=1, keepdims=True) > t)
        return x, c, anyq, i + 1

    t0 = carry0[:, _TOPS - 1:_TOPS]
    anyq0 = jnp.any(jnp.max(sim, axis=1, keepdims=True) > t0)
    _, carry1, _, _ = lax.while_loop(
        cond, body, (sim, carry0, anyq0, jnp.int32(0)))
    carry_ref[...] = carry1

    @pl.when(k == nblk - 1)
    def _final():
        c = carry_ref[...]
        md_ref[...] = jnp.mean(c[:, :_TOPS], axis=1, keepdims=True)
        best = c[:, 0:1]
        gm = jnp.max(best)
        ri = lax.broadcasted_iota(jnp.int32, (nq, 1), 0)
        rid = jnp.min(jnp.where(best == gm, ri, nq))
        oh = (lax.broadcasted_iota(jnp.int32, (1, nq), 1) == rid
              ).astype(jnp.float32)
        y_ref[...] = lax.dot_general(
            oh, scene_ref[...],
            dimension_numbers=(((1,), (0,)), ((), ())),
            preferred_element_type=jnp.float32)


def _phase_a(scene_x, graph_x, bk):
    nq, d = scene_x.shape
    nblk = graph_x.shape[0] // bk
    return pl.pallas_call(
        _phase_a_body,
        grid=(nblk,),
        in_specs=[
            pl.BlockSpec((nq, d), lambda k: (0, 0)),
            pl.BlockSpec((bk, d), lambda k: (k, 0)),
        ],
        out_specs=[
            pl.BlockSpec((nq, 1), lambda k: (0, 0)),
            pl.BlockSpec((1, d), lambda k: (0, 0)),
            pl.BlockSpec((1, d), lambda k: (0, 0)),
        ],
        out_shape=[
            jax.ShapeDtypeStruct((nq, 1), jnp.float32),
            jax.ShapeDtypeStruct((1, d), jnp.float32),
            jax.ShapeDtypeStruct((1, d), jnp.float32),
        ],
        scratch_shapes=[pltpu.VMEM((nq, 16), jnp.float32)],
    )(scene_x, graph_x)



def _phase_b_body(graph_ref, y_ref, cidx_ref, vals_ref, idxs_ref):
    bk, d = graph_ref.shape
    nblk = pl.num_programs(0)
    k = pl.program_id(0)

    @pl.when(k == 0)
    def _init():
        vals_ref[...] = jnp.full((1, _SAMP), _NEG, jnp.float32)
        idxs_ref[...] = jnp.zeros((1, _SAMP), jnp.int32)

    g = graph_ref[...]
    y = y_ref[...]
    y8 = jnp.broadcast_to(y, (8, d))
    dots = lax.dot_general(
        y8, g, dimension_numbers=(((1,), (1,)), ((), ())),
        preferred_element_type=jnp.float32)
    sqn = lax.dot_general(
        jnp.ones((8, d), jnp.float32), g * g,
        dimension_numbers=(((1,), (1,)), ((), ())),
        preferred_element_type=jnp.float32)
    ynorm = jnp.sqrt(jnp.sum(y * y))
    cs = dots / (jnp.sqrt(sqn) * ynorm + 1e-8)
    x0 = cs[0:1, :]

    li = lax.broadcasted_iota(jnp.int32, (1, bk), 1)
    sl = lax.broadcasted_iota(jnp.int32, (1, _SAMP), 1)
    vals0 = vals_ref[...]
    idxs0 = idxs_ref[...]

    def cond(state):
        _x, _v, _ii, anyq, i = state
        return jnp.logical_and(anyq, i < _SAMP)

    def body(state):
        x, v, ii, _aq, i = state
        m = jnp.max(x)
        pidx = jnp.min(jnp.where(x == m, li, bk))
        gidx = k * bk + pidx
        x = jnp.where(li == pidx, _NEG, x)
        pos = jnp.sum((v > m).astype(jnp.int32))
        svv = jnp.concatenate(
            [jnp.full((1, 1), _NEG, jnp.float32), v[:, :_SAMP - 1]], axis=1)
        sii = jnp.concatenate(
            [jnp.zeros((1, 1), jnp.int32), ii[:, :_SAMP - 1]], axis=1)
        v = jnp.where(sl < pos, v, jnp.where(sl == pos, m, svv))
        ii = jnp.where(sl < pos, ii, jnp.where(sl == pos, gidx, sii))
        t = jnp.sum(v[:, _SAMP - 1:_SAMP])
        anyq = jnp.max(x) > t
        return x, v, ii, anyq, i + 1

    t0 = jnp.sum(vals0[:, _SAMP - 1:_SAMP])
    anyq0 = jnp.max(x0) > t0
    _, vals1, idxs1, _, _ = lax.while_loop(
        cond, body, (x0, vals0, idxs0, anyq0, jnp.int32(0)))
    vals_ref[...] = vals1
    idxs_ref[...] = idxs1

    @pl.when(k == nblk - 1)
    def _final():
        cidx_ref[...] = idxs_ref[...]


def _phase_b(graph_x, y, bk):
    kk, d = graph_x.shape
    nblk = kk // bk
    return pl.pallas_call(
        _phase_b_body,
        grid=(nblk,),
        in_specs=[
            pl.BlockSpec((bk, d), lambda k: (k, 0)),
            pl.BlockSpec((1, d), lambda k: (0, 0)),
        ],
        out_specs=pl.BlockSpec((1, _SAMP), lambda k: (0, 0)),
        out_shape=jax.ShapeDtypeStruct((1, _SAMP), jnp.int32),
        scratch_shapes=[
            pltpu.VMEM((1, _SAMP), jnp.float32),
            pltpu.VMEM((1, _SAMP), jnp.int32),
        ],
    )(graph_x, y)



def _gather_rows(graph_x, cidx):
    d = graph_x.shape[1]
    info = plsc.get_sparse_core_info()
    nc = info.num_cores
    mesh = plsc.VectorSubcoreMesh(core_axis_name="c", subcore_axis_name="s")

    @functools.partial(
        pl.kernel, mesh=mesh,
        out_type=jax.ShapeDtypeStruct((_SAMP, d), jnp.float32),
        scratch_types=[
            pltpu.VMEM((8,), jnp.int32),
            pltpu.VMEM((8, d), jnp.float32),
            pltpu.SemaphoreType.DMA,
        ],
    )
    def gk(table_hbm, idx_hbm, out_hbm, idx_v, rows_v, sem):
        wid = lax.axis_index("s") * nc + lax.axis_index("c")

        @pl.when(wid < _SAMP // 8)
        def _():
            base = wid * 8
            pltpu.sync_copy(idx_hbm.at[pl.ds(base, 8)], idx_v)
            pltpu.async_copy(table_hbm.at[idx_v], rows_v, sem).wait()
            pltpu.sync_copy(rows_v, out_hbm.at[pl.ds(base, 8)])

    return gk(graph_x, cidx)



def _phase_c_body(sub_ref, smean_ref, w_ref, b_ref, tmv_ref, tsub_ref,
                  semb_ref):
    w = w_ref[...]
    b = b_ref[...]
    semb = jnp.maximum(
        lax.dot_general(smean_ref[...], w,
                        dimension_numbers=(((1,), (0,)), ((), ())),
                        preferred_element_type=jnp.float32) + b, 0.0)
    semb_ref[...] = semb
    sp = jnp.maximum(
        lax.dot_general(sub_ref[...], w,
                        dimension_numbers=(((1,), (0,)), ((), ())),
                        preferred_element_type=jnp.float32) + b, 0.0)
    logits = lax.dot_general(
        sp, semb, dimension_numbers=(((1,), (1,)), ((), ())),
        preferred_element_type=jnp.float32) / _TEMP
    match = jax.nn.sigmoid(logits)

    ri = lax.broadcasted_iota(jnp.int32, (_SAMP, 1), 0)
    oh_r = lax.broadcasted_iota(jnp.int32, (_TOPS, _SAMP), 0)
    oh_c = lax.broadcasted_iota(jnp.int32, (_TOPS, _SAMP), 1)
    tm_r = lax.broadcasted_iota(jnp.int32, (_TOPS, 1), 0)
    x = match
    oh = jnp.zeros((_TOPS, _SAMP), jnp.float32)
    tm = jnp.zeros((_TOPS, 1), jnp.float32)
    for t in range(_TOPS):
        m = jnp.max(x)
        idx = jnp.min(jnp.where(x == m, ri, _SAMP))
        x = jnp.where(ri == idx, _NEG, x)
        oh = oh + jnp.where(
            jnp.logical_and(oh_r == t, oh_c == idx), 1.0, 0.0)
        tm = tm + jnp.where(tm_r == t, m, 0.0)
    tmv_ref[...] = tm
    tsub_ref[...] = lax.dot_general(
        oh, sp, dimension_numbers=(((1,), (0,)), ((), ())),
        preferred_element_type=jnp.float32)


def _phase_c(sub_embs, smean, w, b2):
    d, lout = w.shape
    return pl.pallas_call(
        _phase_c_body,
        in_specs=[
            pl.BlockSpec((_SAMP, d), lambda: (0, 0)),
            pl.BlockSpec((1, d), lambda: (0, 0)),
            pl.BlockSpec((d, lout), lambda: (0, 0)),
            pl.BlockSpec((1, lout), lambda: (0, 0)),
        ],
        out_specs=[
            pl.BlockSpec((_TOPS, 1), lambda: (0, 0)),
            pl.BlockSpec((_TOPS, lout), lambda: (0, 0)),
            pl.BlockSpec((1, lout), lambda: (0, 0)),
        ],
        out_shape=[
            jax.ShapeDtypeStruct((_TOPS, 1), jnp.float32),
            jax.ShapeDtypeStruct((_TOPS, lout), jnp.float32),
            jax.ShapeDtypeStruct((1, lout), jnp.float32),
        ],
    )(sub_embs, smean, w, b2)



def kernel(scene_x, graph_x, W, b):
    kk = graph_x.shape[0]
    bk = _pick_bk(kk)
    md, y, smean = _phase_a(scene_x, graph_x, bk)
    cidx = _phase_b(graph_x, y, bk)
    sub_embs = _gather_rows(graph_x, cidx.reshape(_SAMP))
    tmv, tsub, semb = _phase_c(sub_embs, smean, W, b.reshape(1, -1))
    return (tmv.reshape(_TOPS), tsub, semb.reshape(-1), md.reshape(-1))

# --- scband reference (transcript-rebuilt; emitter-appended) ---
"""Pipeline reference for scband-graph-match-model-30648886624771 (READ-ONLY COPY).

The authoritative reference and input builder live on the scoring server;
editing this copy changes nothing except your own understanding.
"""

import jax, jax.numpy as jnp
import numpy as np

TOPS = 10
SAMPLING_NUM = 64
TEMP = 0.07

def setup_inputs(seed: int = 0) -> dict:
    key = jax.random.key(seed)
    k1, k2, k3, _ = jax.random.split(key, 4)
    scene_x = jax.random.normal(k1, (1024, 512), dtype=jnp.float32)
    graph_x = jax.random.normal(k2, (100000, 512), dtype=jnp.float32)
    W = jax.random.normal(k3, (512, 256), dtype=jnp.float32) * 0.02
    b = jnp.zeros((256,), dtype=jnp.float32)
    return {"scene_x": scene_x, "graph_x": graph_x, "W": W, "b": b}

def reference(scene_x, graph_x, W, b):
    # Core retrieval: dense sim matrix between scene nodes (queries) and KG nodes (keys)
    sim = scene_x @ graph_x.T  # [Q, K]
    # per-query top-k neighbors (replaces torch.argsort/topk dedup loop)
    top_vals, top_idx = jax.lax.top_k(sim, TOPS)
    match_degree = jnp.mean(top_vals, axis=1)  # [Q]
    # pick query with max similarity (anchor) and compute cosine sim to all keys
    max_sim_values = jnp.max(sim, axis=1)
    max_row_id = jnp.argmax(max_sim_values)
    y = scene_x[max_row_id]  # [d]
    x_y_sim = (graph_x @ y) / (jnp.linalg.norm(graph_x, axis=1) * jnp.linalg.norm(y) + 1e-8)  # [K]
    # sample candidate subgraph roots = top sampling_num keys by cosine sim
    cand_vals, cand_idx = jax.lax.top_k(x_y_sim, SAMPLING_NUM)
    sub_embs = jnp.take(graph_x, cand_idx, axis=0)  # [S, d]
    # mean-pooled scene embedding projected via self.linear (lin_dim -> lout_dim), ReLU
    scene_emb = jax.nn.relu(jnp.mean(scene_x, axis=0) @ W + b)  # [lout]
    sub_proj = jax.nn.relu(sub_embs @ W + b)  # [S, lout]
    # matching score with temperature, then final top-k subgraphs
    match = jax.nn.sigmoid((sub_proj @ scene_emb) / TEMP)  # [S]
    top_m_vals, top_m_idx = jax.lax.top_k(match, TOPS)
    top_sub = jnp.take(sub_proj, top_m_idx, axis=0)  # [TOPS, lout]
    return top_m_vals, top_sub, scene_emb, match_degree

if __name__ == "__main__":
    import jax
    _d = setup_inputs()
    print(jax.jit(kernel)(*tuple(_d.values())))

</pallas_src>

<mosaic_0001>
#map = affine_map<(d0, d1) -> (0, 0)>
#map1 = affine_map<(d0, d1) -> (0)>
module attributes {stable_mosaic.version = 14 : i64} {
  func.func @gk(%arg0: i32, %arg1: i32, %arg2: memref<100000x512xf32, #tpu.memory_space<hbm>>, %arg3: memref<64xi32, #tpu.memory_space<hbm>>, %arg4: memref<64x512xf32, #tpu.memory_space<hbm>>, %arg5: memref<8xi32, #tpu.memory_space<vmem>>, %arg6: memref<8x512xf32, #tpu.memory_space<vmem>>, %arg7: memref<!tpu.dma_semaphore, #tpu.memory_space<semaphore_mem>>) attributes {dimension_semantics = [#tpu.dimension_semantics<core_parallel>, #tpu.dimension_semantics<subcore_parallel>], iteration_bounds = array<i64: 2, 16>, scalar_prefetch = 0 : i64, scratch_operands = 3 : i64, tpu.core_type = #tpu.core_type<sc_vector_subcore>, window_params = [{transform_indices = #map}, {transform_indices = #map1}, {transform_indices = #map}]} {
    %mul3A = arith.constant 2 : i32
    %mul3A_0 = arith.muli %arg1, %mul3A : i32
    %add3A = arith.addi %mul3A_0, %arg0 : i32
    %lt3A = arith.constant 8 : i32
    %lt3A_1 = arith.cmpi slt, %add3A, %lt3A : i32
    %convert_element_type3A = arith.extui %lt3A_1 : i1 to i32
    %cond3A = arith.constant 0 : i32
    %cond3A_2 = arith.cmpi ne, %convert_element_type3A, %cond3A : i32
    scf.if %cond3A_2 {
      %mul3A_3 = arith.constant 8 : i32
      %mul3A_4 = arith.muli %add3A, %mul3A_3 : i32
      "tpu.region"() ({
        %run_scoped3A = tpu.sem_alloc : memref<!tpu.dma_semaphore, #tpu.memory_space<semaphore_mem>>
        %dma_start3A_9 = tpu.memref_slice %arg3[%mul3A_4] : memref<64xi32, #tpu.memory_space<hbm>> -> memref<8xi32, #tpu.memory_space<hbm>>
        %dma_start3A_10 = tpu.memref_slice %arg3[%mul3A_4] : memref<64xi32, #tpu.memory_space<hbm>> -> memref<8xi32, #tpu.memory_space<hbm>>
        tpu.enqueue_dma source(%dma_start3A_10 : memref<8xi32, #tpu.memory_space<hbm>>) target(%arg5 : memref<8xi32, #tpu.memory_space<vmem>>) target_semaphore(%run_scoped3A : memref<!tpu.dma_semaphore, #tpu.memory_space<semaphore_mem>>)
        %dma_wait3A_11 = tpu.memref_slice %arg3[%mul3A_4] : memref<64xi32, #tpu.memory_space<hbm>> -> memref<8xi32, #tpu.memory_space<hbm>>
        %dma_wait3A_12 = tpu.memref_slice %arg3[%mul3A_4] : memref<64xi32, #tpu.memory_space<hbm>> -> memref<8xi32, #tpu.memory_space<hbm>>
        tpu.wait_dma2 semaphore(%run_scoped3A : memref<!tpu.dma_semaphore, #tpu.memory_space<semaphore_mem>>) src(%dma_wait3A_12 : memref<8xi32, #tpu.memory_space<hbm>>) dst(%arg5 : memref<8xi32, #tpu.memory_space<vmem>>)
        tpu.yield
      }) : () -> ()
      %dma_start3A = arith.constant 0 : i32
      %dma_start3A_5 = arith.constant 0 : i32
      %dma_start3A_6 = tpu.memref_slice %arg2[%dma_start3A, %dma_start3A_5] : memref<100000x512xf32, #tpu.memory_space<hbm>> -> memref<100000x512xf32, #tpu.memory_space<hbm>>
      tpu.enqueue_indirect_dma source(%dma_start3A_6 : memref<100000x512xf32, #tpu.memory_space<hbm>>) target(%arg6 : memref<8x512xf32, #tpu.memory_space<vmem>>) offsets(%arg5 : memref<8xi32, #tpu.memory_space<vmem>>) semaphore(%arg7 : memref<!tpu.dma_semaphore, #tpu.memory_space<semaphore_mem>>)
      %dma_wait3A = arith.constant 0 : i32
      %dma_wait3A_7 = arith.constant 0 : i32
      %dma_wait3A_8 = tpu.memref_slice %arg2[%dma_wait3A, %dma_wait3A_7] : memref<100000x512xf32, #tpu.memory_space<hbm>> -> memref<100000x512xf32, #tpu.memory_space<hbm>>
      tpu.wait_indirect_dma semaphore(%arg7 : memref<!tpu.dma_semaphore, #tpu.memory_space<semaphore_mem>>) src(%dma_wait3A_8 : memref<100000x512xf32, #tpu.memory_space<hbm>>) dst(%arg6 : memref<8x512xf32, #tpu.memory_space<vmem>>)
      "tpu.region"() ({
        %run_scoped3A = tpu.sem_alloc : memref<!tpu.dma_semaphore, #tpu.memory_space<semaphore_mem>>
        %dma_start3A_9 = arith.constant 0 : i32
        %dma_start3A_10 = tpu.memref_slice %arg4[%mul3A_4, %dma_start3A_9] : memref<64x512xf32, #tpu.memory_space<hbm>> -> memref<8x512xf32, #tpu.memory_space<hbm>>
        %dma_start3A_11 = arith.constant 0 : i32
        %dma_start3A_12 = tpu.memref_slice %arg4[%mul3A_4, %dma_start3A_11] : memref<64x512xf32, #tpu.memory_space<hbm>> -> memref<8x512xf32, #tpu.memory_space<hbm>>
        tpu.enqueue_dma source(%arg6 : memref<8x512xf32, #tpu.memory_space<vmem>>) target(%dma_start3A_12 : memref<8x512xf32, #tpu.memory_space<hbm>>) target_semaphore(%run_scoped3A : memref<!tpu.dma_semaphore, #tpu.memory_space<semaphore_mem>>)
        %dma_wait3A_13 = arith.constant 0 : i32
        %dma_wait3A_14 = tpu.memref_slice %arg4[%mul3A_4, %dma_wait3A_13] : memref<64x512xf32, #tpu.memory_space<hbm>> -> memref<8x512xf32, #tpu.memory_space<hbm>>
        %dma_wait3A_15 = arith.constant 0 : i32
        %dma_wait3A_16 = tpu.memref_slice %arg4[%mul3A_4, %dma_wait3A_15] : memref<64x512xf32, #tpu.memory_space<hbm>> -> memref<8x512xf32, #tpu.memory_space<hbm>>
        tpu.wait_dma2 semaphore(%run_scoped3A : memref<!tpu.dma_semaphore, #tpu.memory_space<semaphore_mem>>) src(%arg6 : memref<8x512xf32, #tpu.memory_space<vmem>>) dst(%dma_wait3A_16 : memref<8x512xf32, #tpu.memory_space<hbm>>)
        tpu.yield
      }) : () -> ()
    } else {
    }
    return
  }
}

module attributes {stable_mosaic.version = 14 : i64} {
  func.func @_phase_b_body(%arg0: i32, %arg1: memref<2000x512xf32, #tpu.memory_space<vmem>>, %arg2: memref<1x512xf32, #tpu.memory_space<vmem>>, %arg3: memref<1x64xi32, #tpu.memory_space<vmem>>, %arg4: memref<1x64xf32, #tpu.memory_space<vmem>>, %arg5: memref<1x64xi32, #tpu.memory_space<vmem>>) attributes {dimension_semantics = [#tpu.dimension_semantics<arbitrary>], iteration_bounds = array<i64: 50>, scalar_prefetch = 0 : i64, scratch_operands = 2 : i64, tpu.core_type = #tpu.core_type<tc>, window_params = [{transform_indices = @transform_0, window_bounds = array<i64: 2000, 512>}, {pipeline_mode = #tpu.pipeline_mode<synchronous>, transform_indices = @transform_1, window_bounds = array<i64: 1, 512>}, {pipeline_mode = #tpu.pipeline_mode<synchronous>, transform_indices = @transform_2, window_bounds = array<i64: 1, 64>}]} {
    %eq3A = arith.constant 0 : i32
    %eq3A_0 = arith.cmpi eq, %arg0, %eq3A : i32
    %convert_element_type3A = arith.extui %eq3A_0 : i1 to i32
    %cond3A = arith.constant 0 : i32
    %cond3A_1 = arith.cmpi ne, %convert_element_type3A, %cond3A : i32
    scf.if %cond3A_1 {
      %broadcast_in_dim3A_51 = arith.constant 0xFF800000 : f32
      %broadcast_in_dim3A_52 = vector.broadcast %broadcast_in_dim3A_51 : f32 to vector<1x64xf32>
      %swap3A_53 = arith.constant 0 : index
      %swap3A_54 = arith.constant 0 : index
      %swap3A_55 = vector.load %arg4[%swap3A_53, %swap3A_54] : memref<1x64xf32, #tpu.memory_space<vmem>>, vector<1x64xf32>
      tpu.vector_store %arg4[%swap3A_53, %swap3A_54], %broadcast_in_dim3A_52 {strides = array<i32>} : memref<1x64xf32, #tpu.memory_space<vmem>>, vector<1x64xf32>,
      %broadcast_in_dim3A_56 = arith.constant 0 : i32
      %broadcast_in_dim3A_57 = vector.broadcast %broadcast_in_dim3A_56 : i32 to vector<1x64xi32>
      %swap3A_58 = arith.constant 0 : index
      %swap3A_59 = arith.constant 0 : index
      %swap3A_60 = vector.load %arg5[%swap3A_58, %swap3A_59] : memref<1x64xi32, #tpu.memory_space<vmem>>, vector<1x64xi32>
      tpu.vector_store %arg5[%swap3A_58, %swap3A_59], %broadcast_in_dim3A_57 {strides = array<i32>} : memref<1x64xi32, #tpu.memory_space<vmem>>, vector<1x64xi32>,
    } else {
    }
    %get3A = arith.constant 0 : index
    %get3A_2 = arith.constant 0 : index
    %get3A_3 = vector.load %arg1[%get3A, %get3A_2] : memref<2000x512xf32, #tpu.memory_space<vmem>>, vector<2000x512xf32>
    %get3A_4 = arith.constant 0 : index
    %get3A_5 = arith.constant 0 : index
    %get3A_6 = vector.load %arg2[%get3A_4, %get3A_5] : memref<1x512xf32, #tpu.memory_space<vmem>>, vector<1x512xf32>
    %broadcast_in_dim3A = vector.shape_cast %get3A_6 : vector<1x512xf32> to vector<1x512xf32>
    %broadcast_in_dim3A_7 = vector.broadcast %broadcast_in_dim3A : vector<1x512xf32> to vector<8x512xf32>
    %dot_general3A = arith.constant dense<0.000000e+00> : vector<8x2000xf32>
    %dot_general3A_8 = tpu.matmul %broadcast_in_dim3A_7, %get3A_3, %dot_general3A {dimension_numbers = #tpu.dot_dimension_numbers<[1], [1], [0], [0], [0, 0, 1, 0], [], []>, transpose_lhs_hint = false} : vector<8x512xf32>, vector<2000x512xf32>, vector<8x2000xf32> -> vector<8x2000xf32>
    %broadcast_in_dim3A_9 = arith.constant 1.000000e+00 : f32
    %broadcast_in_dim3A_10 = vector.broadcast %broadcast_in_dim3A_9 : f32 to vector<8x512xf32>
    %mul3A = arith.mulf %get3A_3, %get3A_3 : vector<2000x512xf32>
    %dot_general3A_11 = arith.constant dense<0.000000e+00> : vector<8x2000xf32>
    %dot_general3A_12 = tpu.matmul %broadcast_in_dim3A_10, %mul3A, %dot_general3A_11 {dimension_numbers = #tpu.dot_dimension_numbers<[1], [1], [0], [0], [0, 0, 1, 0], [], []>, transpose_lhs_hint = false} : vector<8x512xf32>, vector<2000x512xf32>, vector<8x2000xf32> -> vector<8x2000xf32>
    %mul3A_13 = arith.mulf %get3A_6, %get3A_6 : vector<1x512xf32>
    %reduce_sum3A = vector.shape_cast %mul3A_13 : vector<1x512xf32> to vector<1x1x512xf32>
    %reduce_sum3A_14 = arith.constant dense<0.000000e+00> : vector<1xf32>
    %reduce_sum3A_15 = vector.multi_reduction <add>, %reduce_sum3A, %reduce_sum3A_14 [1, 2] : vector<1x1x512xf32> to vector<1xf32>
    %reduce_sum3A_16 = vector.shape_cast %reduce_sum3A_15 : vector<1xf32> to vector<1x1x1xf32>
    %reduce_sum3A_17 = vector.extract %reduce_sum3A_16[0, 0, 0] : f32 from vector<1x1x1xf32>
    %sqrt3A = math.sqrt %reduce_sum3A_17 : f32
    %sqrt3A_18 = math.sqrt %dot_general3A_12 : vector<8x2000xf32>
    %mul3A_19 = vector.broadcast %sqrt3A : f32 to vector<8x2000xf32>
    %mul3A_20 = arith.mulf %sqrt3A_18, %mul3A_19 : vector<8x2000xf32>
    %add3A = arith.constant 9.99999993E-9 : f32
    %add3A_21 = vector.broadcast %add3A : f32 to vector<8x2000xf32>
    %add3A_22 = arith.addf %mul3A_20, %add3A_21 : vector<8x2000xf32>
    %div3A = arith.divf %dot_general3A_8, %add3A_22 : vector<8x2000xf32>
    %slice3A = vector.extract_strided_slice %div3A {offsets = [0, 0], sizes = [1, 2000], strides = [1, 1]} : vector<8x2000xf32> to vector<1x2000xf32>
    %iota3A = tpu.iota {dimensions = array<i32: 1>} : vector<1x2000xi32>
    %iota3A_23 = tpu.iota {dimensions = array<i32: 1>} : vector<1x64xi32>
    %get3A_24 = arith.constant 0 : index
    %get3A_25 = arith.constant 0 : index
    %get3A_26 = vector.load %arg4[%get3A_24, %get3A_25] : memref<1x64xf32, #tpu.memory_space<vmem>>, vector<1x64xf32>
    %get3A_27 = arith.constant 0 : index
    %get3A_28 = arith.constant 0 : index
    %get3A_29 = vector.load %arg5[%get3A_27, %get3A_28] : memref<1x64xi32, #tpu.memory_space<vmem>>, vector<1x64xi32>
    %slice3A_30 = vector.extract_strided_slice %get3A_26 {offsets = [0, 63], sizes = [1, 1], strides = [1, 1]} : vector<1x64xf32> to vector<1x1xf32>
    %reduce_sum3A_31 = vector.shape_cast %slice3A_30 : vector<1x1xf32> to vector<1x1x1xf32>
    %reduce_sum3A_32 = arith.constant dense<0.000000e+00> : vector<1xf32>
    %reduce_sum3A_33 = vector.multi_reduction <add>, %reduce_sum3A_31, %reduce_sum3A_32 [1, 2] : vector<1x1x1xf32> to vector<1xf32>
    %reduce_sum3A_34 = vector.shape_cast %reduce_sum3A_33 : vector<1xf32> to vector<1x1x1xf32>
    %reduce_sum3A_35 = vector.extract %reduce_sum3A_34[0, 0, 0] : f32 from vector<1x1x1xf32>
    %reduce_max3A = vector.shape_cast %slice3A : vector<1x2000xf32> to vector<1x1x2000xf32>
    %reduce_max3A_36 = arith.constant dense<0xFF800000> : vector<1xf32>
    %reduce_max3A_37 = vector.multi_reduction <maximumf>, %reduce_max3A, %reduce_max3A_36 [1, 2] : vector<1x1x2000xf32> to vector<1xf32>
    %reduce_max3A_38 = vector.shape_cast %reduce_max3A_37 : vector<1xf32> to vector<1x1x1xf32>
    %reduce_max3A_39 = vector.extract %reduce_max3A_38[0, 0, 0] : f32 from vector<1x1x1xf32>
    %gt3A = arith.cmpf ogt, %reduce_max3A_39, %reduce_sum3A_35 : f32
    %while3A = arith.constant 0 : i32
    %while3A_40:5 = scf.while (%while3A_51 = %slice3A, %while3A_52 = %get3A_26, %while3A_53 = %get3A_29, %while3A_54 = %gt3A, %while3A_55 = %while3A) : (vector<1x2000xf32>, vector<1x64xf32>, vector<1x64xi32>, i1, i32) -> (vector<1x2000xf32>, vector<1x64xf32>, vector<1x64xi32>, i1, i32) {
      %lt3A = arith.constant 64 : i32
      %lt3A_56 = arith.cmpi slt, %while3A_55, %lt3A : i32
      %and3A = arith.andi %while3A_54, %lt3A_56 : i1
      scf.condition(%and3A) %while3A_51, %while3A_52, %while3A_53, %while3A_54, %while3A_55 : vector<1x2000xf32>, vector<1x64xf32>, vector<1x64xi32>, i1, i32
    } do {
    ^bb0(%while3A_51: vector<1x2000xf32>, %while3A_52: vector<1x64xf32>, %while3A_53: vector<1x64xi32>, %while3A_54: i1, %while3A_55: i32):
      %reduce_max3A_56 = vector.shape_cast %while3A_51 : vector<1x2000xf32> to vector<1x1x2000xf32>
      %reduce_max3A_57 = arith.constant dense<0xFF800000> : vector<1xf32>
      %reduce_max3A_58 = vector.multi_reduction <maximumf>, %reduce_max3A_56, %reduce_max3A_57 [1, 2] : vector<1x1x2000xf32> to vector<1xf32>
      %reduce_max3A_59 = vector.shape_cast %reduce_max3A_58 : vector<1xf32> to vector<1x1x1xf32>
      %reduce_max3A_60 = vector.extract %reduce_max3A_59[0, 0, 0] : f32 from vector<1x1x1xf32>
      %eq3A_61 = vector.broadcast %reduce_max3A_60 : f32 to vector<1x2000xf32>
      %eq3A_62 = arith.cmpf oeq, %while3A_51, %eq3A_61 : vector<1x2000xf32>
      %jit3A = arith.constant 2000 : i32
      %broadcast_in_dim3A_63 = vector.broadcast %jit3A : i32 to vector<1x2000xi32>
      %select_n3A = arith.select %eq3A_62, %iota3A, %broadcast_in_dim3A_63 : vector<1x2000xi1>, vector<1x2000xi32>
      %reduce_min3A = vector.shape_cast %select_n3A : vector<1x2000xi32> to vector<1x1x2000xi32>
      %reduce_min3A_64 = arith.constant dense<2147483647> : vector<1xi32>
      %reduce_min3A_65 = vector.multi_reduction <minsi>, %reduce_min3A, %reduce_min3A_64 [1, 2] : vector<1x1x2000xi32> to vector<1xi32>
      %reduce_min3A_66 = vector.shape_cast %reduce_min3A_65 : vector<1xi32> to vector<1x1x1xi32>
      %reduce_min3A_67 = vector.extract %reduce_min3A_66[0, 0, 0] : i32 from vector<1x1x1xi32>
      %mul3A_68 = arith.constant 2000 : i32
      %mul3A_69 = arith.muli %arg0, %mul3A_68 : i32
      %add3A_70 = arith.addi %mul3A_69, %reduce_min3A_67 : i32
      %eq3A_71 = vector.broadcast %reduce_min3A_67 : i32 to vector<1x2000xi32>
      %eq3A_72 = arith.cmpi eq, %iota3A, %eq3A_71 : vector<1x2000xi32>
      %jit3A_73 = arith.constant 0xFF800000 : f32
      %broadcast_in_dim3A_74 = vector.broadcast %jit3A_73 : f32 to vector<1x2000xf32>
      %select_n3A_75 = arith.select %eq3A_72, %broadcast_in_dim3A_74, %while3A_51 : vector<1x2000xi1>, vector<1x2000xf32>
      %gt3A_76 = vector.broadcast %reduce_max3A_60 : f32 to vector<1x64xf32>
      %gt3A_77 = arith.cmpf ogt, %while3A_52, %gt3A_76 : vector<1x64xf32>
      %convert_element_type3A_78 = arith.extui %gt3A_77 : vector<1x64xi1> to vector<1x64xi32>
      %reduce_sum3A_79 = vector.shape_cast %convert_element_type3A_78 : vector<1x64xi32> to vector<1x1x64xi32>
      %reduce_sum3A_80 = arith.constant dense<0> : vector<1xi32>
      %reduce_sum3A_81 = vector.multi_reduction <add>, %reduce_sum3A_79, %reduce_sum3A_80 [1, 2] : vector<1x1x64xi32> to vector<1xi32>
      %reduce_sum3A_82 = vector.shape_cast %reduce_sum3A_81 : vector<1xi32> to vector<1x1x1xi32>
      %reduce_sum3A_83 = vector.extract %reduce_sum3A_82[0, 0, 0] : i32 from vector<1x1x1xi32>
      %broadcast_in_dim3A_84 = arith.constant 0xFF800000 : f32
      %broadcast_in_dim3A_85 = vector.broadcast %broadcast_in_dim3A_84 : f32 to vector<1x1xf32>
      %slice3A_86 = vector.extract_strided_slice %while3A_52 {offsets = [0, 0], sizes = [1, 63], strides = [1, 1]} : vector<1x64xf32> to vector<1x63xf32>
      %concatenate3A = tpu.concatenate %broadcast_in_dim3A_85, %slice3A_86 in 1 : vector<1x1xf32>, vector<1x63xf32> -> vector<1x64xf32>
      %broadcast_in_dim3A_87 = arith.constant 0 : i32
      %broadcast_in_dim3A_88 = vector.broadcast %broadcast_in_dim3A_87 : i32 to vector<1x1xi32>
      %slice3A_89 = vector.extract_strided_slice %while3A_53 {offsets = [0, 0], sizes = [1, 63], strides = [1, 1]} : vector<1x64xi32> to vector<1x63xi32>
      %concatenate3A_90 = tpu.concatenate %broadcast_in_dim3A_88, %slice3A_89 in 1 : vector<1x1xi32>, vector<1x63xi32> -> vector<1x64xi32>
      %lt3A = vector.broadcast %reduce_sum3A_83 : i32 to vector<1x64xi32>
      %lt3A_91 = arith.cmpi slt, %iota3A_23, %lt3A : vector<1x64xi32>
      %eq3A_92 = vector.broadcast %reduce_sum3A_83 : i32 to vector<1x64xi32>
      %eq3A_93 = arith.cmpi eq, %iota3A_23, %eq3A_92 : vector<1x64xi32>
      %broadcast_in_dim3A_94 = vector.broadcast %reduce_max3A_60 : f32 to vector<1x64xf32>
      %select_n3A_95 = arith.select %eq3A_93, %broadcast_in_dim3A_94, %concatenate3A : vector<1x64xi1>, vector<1x64xf32>
      %select_n3A_96 = arith.select %lt3A_91, %while3A_52, %select_n3A_95 : vector<1x64xi1>, vector<1x64xf32>
      %lt3A_97 = vector.broadcast %reduce_sum3A_83 : i32 to vector<1x64xi32>
      %lt3A_98 = arith.cmpi slt, %iota3A_23, %lt3A_97 : vector<1x64xi32>
      %eq3A_99 = vector.broadcast %reduce_sum3A_83 : i32 to vector<1x64xi32>
      %eq3A_100 = arith.cmpi eq, %iota3A_23, %eq3A_99 : vector<1x64xi32>
      %broadcast_in_dim3A_101 = vector.broadcast %add3A_70 : i32 to vector<1x64xi32>
      %select_n3A_102 = arith.select %eq3A_100, %broadcast_in_dim3A_101, %concatenate3A_90 : vector<1x64xi1>, vector<1x64xi32>
      %select_n3A_103 = arith.select %lt3A_98, %while3A_53, %select_n3A_102 : vector<1x64xi1>, vector<1x64xi32>
      %slice3A_104 = vector.extract_strided_slice %select_n3A_96 {offsets = [0, 63], sizes = [1, 1], strides = [1, 1]} : vector<1x64xf32> to vector<1x1xf32>
      %reduce_sum3A_105 = vector.shape_cast %slice3A_104 : vector<1x1xf32> to vector<1x1x1xf32>
      %reduce_sum3A_106 = arith.constant dense<0.000000e+00> : vector<1xf32>
      %reduce_sum3A_107 = vector.multi_reduction <add>, %reduce_sum3A_105, %reduce_sum3A_106 [1, 2] : vector<1x1x1xf32> to vector<1xf32>
      %reduce_sum3A_108 = vector.shape_cast %reduce_sum3A_107 : vector<1xf32> to vector<1x1x1xf32>
      %reduce_sum3A_109 = vector.extract %reduce_sum3A_108[0, 0, 0] : f32 from vector<1x1x1xf32>
      %reduce_max3A_110 = vector.shape_cast %select_n3A_75 : vector<1x2000xf32> to vector<1x1x2000xf32>
      %reduce_max3A_111 = arith.constant dense<0xFF800000> : vector<1xf32>
      %reduce_max3A_112 = vector.multi_reduction <maximumf>, %reduce_max3A_110, %reduce_max3A_111 [1, 2] : vector<1x1x2000xf32> to vector<1xf32>
      %reduce_max3A_113 = vector.shape_cast %reduce_max3A_112 : vector<1xf32> to vector<1x1x1xf32>
      %reduce_max3A_114 = vector.extract %reduce_max3A_113[0, 0, 0] : f32 from vector<1x1x1xf32>
      %gt3A_115 = arith.cmpf ogt, %reduce_max3A_114, %reduce_sum3A_109 : f32
      %add3A_116 = arith.constant 1 : i32
      %add3A_117 = arith.addi %while3A_55, %add3A_116 : i32
      scf.yield %select_n3A_75, %select_n3A_96, %select_n3A_103, %gt3A_115, %add3A_117 : vector<1x2000xf32>, vector<1x64xf32>, vector<1x64xi32>, i1, i32
    }
    %swap3A = arith.constant 0 : index
    %swap3A_41 = arith.constant 0 : index
    %swap3A_42 = vector.load %arg4[%swap3A, %swap3A_41] : memref<1x64xf32, #tpu.memory_space<vmem>>, vector<1x64xf32>
    tpu.vector_store %arg4[%swap3A, %swap3A_41], %while3A_40#1 {strides = array<i32>} : memref<1x64xf32, #tpu.memory_space<vmem>>, vector<1x64xf32>,
    %swap3A_43 = arith.constant 0 : index
    %swap3A_44 = arith.constant 0 : index
    %swap3A_45 = vector.load %arg5[%swap3A_43, %swap3A_44] : memref<1x64xi32, #tpu.memory_space<vmem>>, vector<1x64xi32>
    tpu.vector_store %arg5[%swap3A_43, %swap3A_44], %while3A_40#2 {strides = array<i32>} : memref<1x64xi32, #tpu.memory_space<vmem>>, vector<1x64xi32>,
    %eq3A_46 = arith.constant 49 : i32
    %eq3A_47 = arith.cmpi eq, %arg0, %eq3A_46 : i32
    %convert_element_type3A_48 = arith.extui %eq3A_47 : i1 to i32
    %cond3A_49 = arith.constant 0 : i32
    %cond3A_50 = arith.cmpi ne, %convert_element_type3A_48, %cond3A_49 : i32
    scf.if %cond3A_50 {
      %get3A_51 = arith.constant 0 : index
      %get3A_52 = arith.constant 0 : index
      %get3A_53 = vector.load %arg5[%get3A_51, %get3A_52] : memref<1x64xi32, #tpu.memory_space<vmem>>, vector<1x64xi32>
      %swap3A_54 = arith.constant 0 : index
      %swap3A_55 = arith.constant 0 : index
      %swap3A_56 = vector.load %arg3[%swap3A_54, %swap3A_55] : memref<1x64xi32, #tpu.memory_space<vmem>>, vector<1x64xi32>
      tpu.vector_store %arg3[%swap3A_54, %swap3A_55], %get3A_53 {strides = array<i32>} : memref<1x64xi32, #tpu.memory_space<vmem>>, vector<1x64xi32>,
    } else {
    }
    return
  }
  func.func @transform_0(%arg0: i32) -> (i32, i32) {
    %c0_i32 = arith.constant 0 : i32
    %c0_i32_0 = arith.constant 0 : i32
    return %arg0, %c0_i32 : i32, i32
  }
  func.func @transform_1(%arg0: i32) -> (i32, i32) {
    %c0_i32 = arith.constant 0 : i32
    %c0_i32_0 = arith.constant 0 : i32
    %c0_i32_1 = arith.constant 0 : i32
    return %c0_i32, %c0_i32_0 : i32, i32
  }
  func.func @transform_2(%arg0: i32) -> (i32, i32) {
    %c0_i32 = arith.constant 0 : i32
    %c0_i32_0 = arith.constant 0 : i32
    %c0_i32_1 = arith.constant 0 : i32
    return %c0_i32, %c0_i32_0 : i32, i32
  }
}

module attributes {stable_mosaic.version = 14 : i64} {
  func.func @_phase_c_body(%arg0: memref<64x512xf32, #tpu.memory_space<vmem>>, %arg1: memref<1x512xf32, #tpu.memory_space<vmem>>, %arg2: memref<512x256xf32, #tpu.memory_space<vmem>>, %arg3: memref<1x256xf32, #tpu.memory_space<vmem>>, %arg4: memref<10x1xf32, #tpu.memory_space<vmem>>, %arg5: memref<10x256xf32, #tpu.memory_space<vmem>>, %arg6: memref<1x256xf32, #tpu.memory_space<vmem>>) attributes {dimension_semantics = [], scalar_prefetch = 0 : i64, scratch_operands = 0 : i64, tpu.core_type = #tpu.core_type<tc>} {
    %get3A = arith.constant 0 : index
    %get3A_0 = arith.constant 0 : index
    %get3A_1 = vector.load %arg2[%get3A, %get3A_0] : memref<512x256xf32, #tpu.memory_space<vmem>>, vector<512x256xf32>
    %get3A_2 = arith.constant 0 : index
    %get3A_3 = arith.constant 0 : index
    %get3A_4 = vector.load %arg3[%get3A_2, %get3A_3] : memref<1x256xf32, #tpu.memory_space<vmem>>, vector<1x256xf32>
    %get3A_5 = arith.constant 0 : index
    %get3A_6 = arith.constant 0 : index
    %get3A_7 = vector.load %arg1[%get3A_5, %get3A_6] : memref<1x512xf32, #tpu.memory_space<vmem>>, vector<1x512xf32>
    %dot_general3A = arith.constant dense<0.000000e+00> : vector<1x256xf32>
    %dot_general3A_8 = tpu.matmul %get3A_7, %get3A_1, %dot_general3A {dimension_numbers = #tpu.dot_dimension_numbers<[1], [0], [0], [1], [0, 0, 1, 1], [], []>, transpose_lhs_hint = false} : vector<1x512xf32>, vector<512x256xf32>, vector<1x256xf32> -> vector<1x256xf32>
    %add3A = arith.addf %dot_general3A_8, %get3A_4 : vector<1x256xf32>
    %max3A = arith.constant 0.000000e+00 : f32
    %max3A_9 = vector.broadcast %max3A : f32 to vector<1x256xf32>
    %max3A_10 = arith.maximumf %add3A, %max3A_9 : vector<1x256xf32>
    %swap3A = arith.constant 0 : index
    %swap3A_11 = arith.constant 0 : index
    %swap3A_12 = vector.load %arg6[%swap3A, %swap3A_11] : memref<1x256xf32, #tpu.memory_space<vmem>>, vector<1x256xf32>
    tpu.vector_store %arg6[%swap3A, %swap3A_11], %max3A_10 {strides = array<i32>} : memref<1x256xf32, #tpu.memory_space<vmem>>, vector<1x256xf32>,
    %get3A_13 = arith.constant 0 : index
    %get3A_14 = arith.constant 0 : index
    %get3A_15 = vector.load %arg0[%get3A_13, %get3A_14] : memref<64x512xf32, #tpu.memory_space<vmem>>, vector<64x512xf32>
    %dot_general3A_16 = arith.constant dense<0.000000e+00> : vector<64x256xf32>
    %dot_general3A_17 = tpu.matmul %get3A_15, %get3A_1, %dot_general3A_16 {dimension_numbers = #tpu.dot_dimension_numbers<[1], [0], [0], [1], [0, 0, 1, 1], [], []>, transpose_lhs_hint = false} : vector<64x512xf32>, vector<512x256xf32>, vector<64x256xf32> -> vector<64x256xf32>
    %add3A_18 = vector.broadcast %get3A_4 : vector<1x256xf32> to vector<64x256xf32>
    %add3A_19 = arith.addf %dot_general3A_17, %add3A_18 : vector<64x256xf32>
    %max3A_20 = arith.constant 0.000000e+00 : f32
    %max3A_21 = vector.broadcast %max3A_20 : f32 to vector<64x256xf32>
    %max3A_22 = arith.maximumf %add3A_19, %max3A_21 : vector<64x256xf32>
    %dot_general3A_23 = arith.constant dense<0.000000e+00> : vector<64x1xf32>
    %dot_general3A_24 = tpu.matmul %max3A_22, %max3A_10, %dot_general3A_23 {dimension_numbers = #tpu.dot_dimension_numbers<[1], [1], [0], [0], [0, 0, 1, 0], [], []>, transpose_lhs_hint = false} : vector<64x256xf32>, vector<1x256xf32>, vector<64x1xf32> -> vector<64x1xf32>
    %div3A = arith.constant 7.000000e-02 : f32
    %div3A_25 = vector.broadcast %div3A : f32 to vector<64x1xf32>
    %div3A_26 = arith.divf %dot_general3A_24, %div3A_25 : vector<64x1xf32>
    %logistic3A = arith.negf %div3A_26 : vector<64x1xf32>
    %logistic3A_27 = math.exp %logistic3A : vector<64x1xf32>
    %logistic3A_28 = arith.constant 1.000000e+00 : f32
    %logistic3A_29 = vector.broadcast %logistic3A_28 : f32 to vector<64x1xf32>
    %logistic3A_30 = arith.addf %logistic3A_29, %logistic3A_27 : vector<64x1xf32>
    %logistic3A_31 = arith.divf %logistic3A_29, %logistic3A_30 : vector<64x1xf32>
    %iota3A = tpu.iota {dimensions = array<i32: 0>} : vector<64x1xi32>
    %iota3A_32 = tpu.iota {dimensions = array<i32: 0>} : vector<10x64xi32>
    %iota3A_33 = tpu.iota {dimensions = array<i32: 1>} : vector<10x64xi32>
    %iota3A_34 = tpu.iota {dimensions = array<i32: 0>} : vector<10x1xi32>
    %broadcast_in_dim3A = arith.constant 0.000000e+00 : f32
    %broadcast_in_dim3A_35 = vector.broadcast %broadcast_in_dim3A : f32 to vector<10x64xf32>
    %broadcast_in_dim3A_36 = arith.constant 0.000000e+00 : f32
    %broadcast_in_dim3A_37 = vector.broadcast %broadcast_in_dim3A_36 : f32 to vector<10x1xf32>
    %reduce_max3A = vector.shape_cast %logistic3A_31 : vector<64x1xf32> to vector<1x64x1xf32>
    %reduce_max3A_38 = arith.constant dense<0xFF800000> : vector<1xf32>
    %reduce_max3A_39 = vector.multi_reduction <maximumf>, %reduce_max3A, %reduce_max3A_38 [1, 2] : vector<1x64x1xf32> to vector<1xf32>
    %reduce_max3A_40 = vector.shape_cast %reduce_max3A_39 : vector<1xf32> to vector<1x1x1xf32>
    %reduce_max3A_41 = vector.extract %reduce_max3A_40[0, 0, 0] : f32 from vector<1x1x1xf32>
    %eq3A = vector.broadcast %reduce_max3A_41 : f32 to vector<64x1xf32>
    %eq3A_42 = arith.cmpf oeq, %logistic3A_31, %eq3A : vector<64x1xf32>
    %jit3A = arith.constant 64 : i32
    %broadcast_in_dim3A_43 = vector.broadcast %jit3A : i32 to vector<64x1xi32>
    %select_n3A = arith.select %eq3A_42, %iota3A, %broadcast_in_dim3A_43 : vector<64x1xi1>, vector<64x1xi32>
    %reduce_min3A = vector.shape_cast %select_n3A : vector<64x1xi32> to vector<1x64x1xi32>
    %reduce_min3A_44 = arith.constant dense<2147483647> : vector<1xi32>
    %reduce_min3A_45 = vector.multi_reduction <minsi>, %reduce_min3A, %reduce_min3A_44 [1, 2] : vector<1x64x1xi32> to vector<1xi32>
    %reduce_min3A_46 = vector.shape_cast %reduce_min3A_45 : vector<1xi32> to vector<1x1x1xi32>
    %reduce_min3A_47 = vector.extract %reduce_min3A_46[0, 0, 0] : i32 from vector<1x1x1xi32>
    %eq3A_48 = vector.broadcast %reduce_min3A_47 : i32 to vector<64x1xi32>
    %eq3A_49 = arith.cmpi eq, %iota3A, %eq3A_48 : vector<64x1xi32>
    %jit3A_50 = arith.constant 0xFF800000 : f32
    %broadcast_in_dim3A_51 = vector.broadcast %jit3A_50 : f32 to vector<64x1xf32>
    %select_n3A_52 = arith.select %eq3A_49, %broadcast_in_dim3A_51, %logistic3A_31 : vector<64x1xi1>, vector<64x1xf32>
    %eq3A_53 = arith.constant 0 : i32
    %eq3A_54 = vector.broadcast %eq3A_53 : i32 to vector<10x64xi32>
    %eq3A_55 = arith.cmpi eq, %iota3A_32, %eq3A_54 : vector<10x64xi32>
    %eq3A_56 = vector.broadcast %reduce_min3A_47 : i32 to vector<10x64xi32>
    %eq3A_57 = arith.cmpi eq, %iota3A_33, %eq3A_56 : vector<10x64xi32>
    %and3A = arith.andi %eq3A_55, %eq3A_57 : vector<10x64xi1>
    %jit3A_58 = arith.constant 1.000000e+00 : f32
    %jit3A_59 = arith.constant 0.000000e+00 : f32
    %broadcast_in_dim3A_60 = vector.broadcast %jit3A_58 : f32 to vector<10x64xf32>
    %broadcast_in_dim3A_61 = vector.broadcast %jit3A_59 : f32 to vector<10x64xf32>
    %select_n3A_62 = arith.select %and3A, %broadcast_in_dim3A_60, %broadcast_in_dim3A_61 : vector<10x64xi1>, vector<10x64xf32>
    %add3A_63 = arith.addf %broadcast_in_dim3A_35, %select_n3A_62 : vector<10x64xf32>
    %eq3A_64 = arith.constant 0 : i32
    %eq3A_65 = vector.broadcast %eq3A_64 : i32 to vector<10x1xi32>
    %eq3A_66 = arith.cmpi eq, %iota3A_34, %eq3A_65 : vector<10x1xi32>
    %jit3A_67 = arith.constant 0.000000e+00 : f32
    %broadcast_in_dim3A_68 = vector.broadcast %reduce_max3A_41 : f32 to vector<10x1xf32>
    %broadcast_in_dim3A_69 = vector.broadcast %jit3A_67 : f32 to vector<10x1xf32>
    %select_n3A_70 = arith.select %eq3A_66, %broadcast_in_dim3A_68, %broadcast_in_dim3A_69 : vector<10x1xi1>, vector<10x1xf32>
    %add3A_71 = arith.addf %broadcast_in_dim3A_37, %select_n3A_70 : vector<10x1xf32>
    %reduce_max3A_72 = vector.shape_cast %select_n3A_52 : vector<64x1xf32> to vector<1x64x1xf32>
    %reduce_max3A_73 = arith.constant dense<0xFF800000> : vector<1xf32>
    %reduce_max3A_74 = vector.multi_reduction <maximumf>, %reduce_max3A_72, %reduce_max3A_73 [1, 2] : vector<1x64x1xf32> to vector<1xf32>
    %reduce_max3A_75 = vector.shape_cast %reduce_max3A_74 : vector<1xf32> to vector<1x1x1xf32>
    %reduce_max3A_76 = vector.extract %reduce_max3A_75[0, 0, 0] : f32 from vector<1x1x1xf32>
    %eq3A_77 = vector.broadcast %reduce_max3A_76 : f32 to vector<64x1xf32>
    %eq3A_78 = arith.cmpf oeq, %select_n3A_52, %eq3A_77 : vector<64x1xf32>
    %jit3A_79 = arith.constant 64 : i32
    %broadcast_in_dim3A_80 = vector.broadcast %jit3A_79 : i32 to vector<64x1xi32>
    %select_n3A_81 = arith.select %eq3A_78, %iota3A, %broadcast_in_dim3A_80 : vector<64x1xi1>, vector<64x1xi32>
    %reduce_min3A_82 = vector.shape_cast %select_n3A_81 : vector<64x1xi32> to vector<1x64x1xi32>
    %reduce_min3A_83 = arith.constant dense<2147483647> : vector<1xi32>
    %reduce_min3A_84 = vector.multi_reduction <minsi>, %reduce_min3A_82, %reduce_min3A_83 [1, 2] : vector<1x64x1xi32> to vector<1xi32>
    %reduce_min3A_85 = vector.shape_cast %reduce_min3A_84 : vector<1xi32> to vector<1x1x1xi32>
    %reduce_min3A_86 = vector.extract %reduce_min3A_85[0, 0, 0] : i32 from vector<1x1x1xi32>
    %eq3A_87 = vector.broadcast %reduce_min3A_86 : i32 to vector<64x1xi32>
    %eq3A_88 = arith.cmpi eq, %iota3A, %eq3A_87 : vector<64x1xi32>
    %jit3A_89 = arith.constant 0xFF800000 : f32
    %broadcast_in_dim3A_90 = vector.broadcast %jit3A_89 : f32 to vector<64x1xf32>
    %select_n3A_91 = arith.select %eq3A_88, %broadcast_in_dim3A_90, %select_n3A_52 : vector<64x1xi1>, vector<64x1xf32>
    %eq3A_92 = arith.constant 1 : i32
    %eq3A_93 = vector.broadcast %eq3A_92 : i32 to vector<10x64xi32>
    %eq3A_94 = arith.cmpi eq, %iota3A_32, %eq3A_93 : vector<10x64xi32>
    %eq3A_95 = vector.broadcast %reduce_min3A_86 : i32 to vector<10x64xi32>
    %eq3A_96 = arith.cmpi eq, %iota3A_33, %eq3A_95 : vector<10x64xi32>
    %and3A_97 = arith.andi %eq3A_94, %eq3A_96 : vector<10x64xi1>
    %jit3A_98 = arith.constant 1.000000e+00 : f32
    %jit3A_99 = arith.constant 0.000000e+00 : f32
    %broadcast_in_dim3A_100 = vector.broadcast %jit3A_98 : f32 to vector<10x64xf32>
    %broadcast_in_dim3A_101 = vector.broadcast %jit3A_99 : f32 to vector<10x64xf32>
    %select_n3A_102 = arith.select %and3A_97, %broadcast_in_dim3A_100, %broadcast_in_dim3A_101 : vector<10x64xi1>, vector<10x64xf32>
    %add3A_103 = arith.addf %add3A_63, %select_n3A_102 : vector<10x64xf32>
    %eq3A_104 = arith.constant 1 : i32
    %eq3A_105 = vector.broadcast %eq3A_104 : i32 to vector<10x1xi32>
    %eq3A_106 = arith.cmpi eq, %iota3A_34, %eq3A_105 : vector<10x1xi32>
    %jit3A_107 = arith.constant 0.000000e+00 : f32
    %broadcast_in_dim3A_108 = vector.broadcast %reduce_max3A_76 : f32 to vector<10x1xf32>
    %broadcast_in_dim3A_109 = vector.broadcast %jit3A_107 : f32 to vector<10x1xf32>
    %select_n3A_110 = arith.select %eq3A_106, %broadcast_in_dim3A_108, %broadcast_in_dim3A_109 : vector<10x1xi1>, vector<10x1xf32>
    %add3A_111 = arith.addf %add3A_71, %select_n3A_110 : vector<10x1xf32>
    %reduce_max3A_112 = vector.shape_cast %select_n3A_91 : vector<64x1xf32> to vector<1x64x1xf32>
    %reduce_max3A_113 = arith.constant dense<0xFF800000> : vector<1xf32>
    %reduce_max3A_114 = vector.multi_reduction <maximumf>, %reduce_max3A_112, %reduce_max3A_113 [1, 2] : vector<1x64x1xf32> to vector<1xf32>
    %reduce_max3A_115 = vector.shape_cast %reduce_max3A_114 : vector<1xf32> to vector<1x1x1xf32>
    %reduce_max3A_116 = vector.extract %reduce_max3A_115[0, 0, 0] : f32 from vector<1x1x1xf32>
    %eq3A_117 = vector.broadcast %reduce_max3A_116 : f32 to vector<64x1xf32>
    %eq3A_118 = arith.cmpf oeq, %select_n3A_91, %eq3A_117 : vector<64x1xf32>
    %jit3A_119 = arith.constant 64 : i32
    %broadcast_in_dim3A_120 = vector.broadcast %jit3A_119 : i32 to vector<64x1xi32>
    %select_n3A_121 = arith.select %eq3A_118, %iota3A, %broadcast_in_dim3A_120 : vector<64x1xi1>, vector<64x1xi32>
    %reduce_min3A_122 = vector.shape_cast %select_n3A_121 : vector<64x1xi32> to vector<1x64x1xi32>
    %reduce_min3A_123 = arith.constant dense<2147483647> : vector<1xi32>
    %reduce_min3A_124 = vector.multi_reduction <minsi>, %reduce_min3A_122, %reduce_min3A_123 [1, 2] : vector<1x64x1xi32> to vector<1xi32>
    %reduce_min3A_125 = vector.shape_cast %reduce_min3A_124 : vector<1xi32> to vector<1x1x1xi32>
    %reduce_min3A_126 = vector.extract %reduce_min3A_125[0, 0, 0] : i32 from vector<1x1x1xi32>
    %eq3A_127 = vector.broadcast %reduce_min3A_126 : i32 to vector<64x1xi32>
    %eq3A_128 = arith.cmpi eq, %iota3A, %eq3A_127 : vector<64x1xi32>
    %jit3A_129 = arith.constant 0xFF800000 : f32
    %broadcast_in_dim3A_130 = vector.broadcast %jit3A_129 : f32 to vector<64x1xf32>
    %select_n3A_131 = arith.select %eq3A_128, %broadcast_in_dim3A_130, %select_n3A_91 : vector<64x1xi1>, vector<64x1xf32>
    %eq3A_132 = arith.constant 2 : i32
    %eq3A_133 = vector.broadcast %eq3A_132 : i32 to vector<10x64xi32>
    %eq3A_134 = arith.cmpi eq, %iota3A_32, %eq3A_133 : vector<10x64xi32>
    %eq3A_135 = vector.broadcast %reduce_min3A_126 : i32 to vector<10x64xi32>
    %eq3A_136 = arith.cmpi eq, %iota3A_33, %eq3A_135 : vector<10x64xi32>
    %and3A_137 = arith.andi %eq3A_134, %eq3A_136 : vector<10x64xi1>
    %jit3A_138 = arith.constant 1.000000e+00 : f32
    %jit3A_139 = arith.constant 0.000000e+00 : f32
    %broadcast_in_dim3A_140 = vector.broadcast %jit3A_138 : f32 to vector<10x64xf32>
    %broadcast_in_dim3A_141 = vector.broadcast %jit3A_139 : f32 to vector<10x64xf32>
    %select_n3A_142 = arith.select %and3A_137, %broadcast_in_dim3A_140, %broadcast_in_dim3A_141 : vector<10x64xi1>, vector<10x64xf32>
    %add3A_143 = arith.addf %add3A_103, %select_n3A_142 : vector<10x64xf32>
    %eq3A_144 = arith.constant 2 : i32
    %eq3A_145 = vector.broadcast %eq3A_144 : i32 to vector<10x1xi32>
    %eq3A_146 = arith.cmpi eq, %iota3A_34, %eq3A_145 : vector<10x1xi32>
    %jit3A_147 = arith.constant 0.000000e+00 : f32
    %broadcast_in_dim3A_148 = vector.broadcast %reduce_max3A_116 : f32 to vector<10x1xf32>
    %broadcast_in_dim3A_149 = vector.broadcast %jit3A_147 : f32 to vector<10x1xf32>
    %select_n3A_150 = arith.select %eq3A_146, %broadcast_in_dim3A_148, %broadcast_in_dim3A_149 : vector<10x1xi1>, vector<10x1xf32>
    %add3A_151 = arith.addf %add3A_111, %select_n3A_150 : vector<10x1xf32>
    %reduce_max3A_152 = vector.shape_cast %select_n3A_131 : vector<64x1xf32> to vector<1x64x1xf32>
    %reduce_max3A_153 = arith.constant dense<0xFF800000> : vector<1xf32>
    %reduce_max3A_154 = vector.multi_reduction <maximumf>, %reduce_max3A_152, %reduce_max3A_153 [1, 2] : vector<1x64x1xf32> to vector<1xf32>
    %reduce_max3A_155 = vector.shape_cast %reduce_max3A_154 : vector<1xf32> to vector<1x1x1xf32>
    %reduce_max3A_156 = vector.extract %reduce_max3A_155[0, 0, 0] : f32 from vector<1x1x1xf32>
    %eq3A_157 = vector.broadcast %reduce_max3A_156 : f32 to vector<64x1xf32>
    %eq3A_158 = arith.cmpf oeq, %select_n3A_131, %eq3A_157 : vector<64x1xf32>
    %jit3A_159 = arith.constant 64 : i32
    %broadcast_in_dim3A_160 = vector.broadcast %jit3A_159 : i32 to vector<64x1xi32>
    %select_n3A_161 = arith.select %eq3A_158, %iota3A, %broadcast_in_dim3A_160 : vector<64x1xi1>, vector<64x1xi32>
    %reduce_min3A_162 = vector.shape_cast %select_n3A_161 : vector<64x1xi32> to vector<1x64x1xi32>
    %reduce_min3A_163 = arith.constant dense<2147483647> : vector<1xi32>
    %reduce_min3A_164 = vector.multi_reduction <minsi>, %reduce_min3A_162, %reduce_min3A_163 [1, 2] : vector<1x64x1xi32> to vector<1xi32>
    %reduce_min3A_165 = vector.shape_cast %reduce_min3A_164 : vector<1xi32> to vector<1x1x1xi32>
    %reduce_min3A_166 = vector.extract %reduce_min3A_165[0, 0, 0] : i32 from vector<1x1x1xi32>
    %eq3A_167 = vector.broadcast %reduce_min3A_166 : i32 to vector<64x1xi32>
    %eq3A_168 = arith.cmpi eq, %iota3A, %eq3A_167 : vector<64x1xi32>
    %jit3A_169 = arith.constant 0xFF800000 : f32
    %broadcast_in_dim3A_170 = vector.broadcast %jit3A_169 : f32 to vector<64x1xf32>
    %select_n3A_171 = arith.select %eq3A_168, %broadcast_in_dim3A_170, %select_n3A_131 : vector<64x1xi1>, vector<64x1xf32>
    %eq3A_172 = arith.constant 3 : i32
    %eq3A_173 = vector.broadcast %eq3A_172 : i32 to vector<10x64xi32>
    %eq3A_174 = arith.cmpi eq, %iota3A_32, %eq3A_173 : vector<10x64xi32>
    %eq3A_175 = vector.broadcast %reduce_min3A_166 : i32 to vector<10x64xi32>
    %eq3A_176 = arith.cmpi eq, %iota3A_33, %eq3A_175 : vector<10x64xi32>
    %and3A_177 = arith.andi %eq3A_174, %eq3A_176 : vector<10x64xi1>
    %jit3A_178 = arith.constant 1.000000e+00 : f32
    %jit3A_179 = arith.constant 0.000000e+00 : f32
    %broadcast_in_dim3A_180 = vector.broadcast %jit3A_178 : f32 to vector<10x64xf32>
    %broadcast_in_dim3A_181 = vector.broadcast %jit3A_179 : f32 to vector<10x64xf32>
    %select_n3A_182 = arith.select %and3A_177, %broadcast_in_dim3A_180, %broadcast_in_dim3A_181 : vector<10x64xi1>, vector<10x64xf32>
    %add3A_183 = arith.addf %add3A_143, %select_n3A_182 : vector<10x64xf32>
    %eq3A_184 = arith.constant 3 : i32
    %eq3A_185 = vector.broadcast %eq3A_184 : i32 to vector<10x1xi32>
    %eq3A_186 = arith.cmpi eq, %iota3A_34, %eq3A_185 : vector<10x1xi32>
    %jit3A_187 = arith.constant 0.000000e+00 : f32
    %broadcast_in_dim3A_188 = vector.broadcast %reduce_max3A_156 : f32 to vector<10x1xf32>
    %broadcast_in_dim3A_189 = vector.broadcast %jit3A_187 : f32 to vector<10x1xf32>
    %select_n3A_190 = arith.select %eq3A_186, %broadcast_in_dim3A_188, %broadcast_in_dim3A_189 : vector<10x1xi1>, vector<10x1xf32>
    %add3A_191 = arith.addf %add3A_151, %select_n3A_190 : vector<10x1xf32>
    %reduce_max3A_192 = vector.shape_cast %select_n3A_171 : vector<64x1xf32> to vector<1x64x1xf32>
    %reduce_max3A_193 = arith.constant dense<0xFF800000> : vector<1xf32>
    %reduce_max3A_194 = vector.multi_reduction <maximumf>, %reduce_max3A_192, %reduce_max3A_193 [1, 2] : vector<1x64x1xf32> to vector<1xf32>
    %reduce_max3A_195 = vector.shape_cast %reduce_max3A_194 : vector<1xf32> to vector<1x1x1xf32>
    %reduce_max3A_196 = vector.extract %reduce_max3A_195[0, 0, 0] : f32 from vector<1x1x1xf32>
    %eq3A_197 = vector.broadcast %reduce_max3A_196 : f32 to vector<64x1xf32>
    %eq3A_198 = arith.cmpf oeq, %select_n3A_171, %eq3A_197 : vector<64x1xf32>
    %jit3A_199 = arith.constant 64 : i32
    %broadcast_in_dim3A_200 = vector.broadcast %jit3A_199 : i32 to vector<64x1xi32>
    %select_n3A_201 = arith.select %eq3A_198, %iota3A, %broadcast_in_dim3A_200 : vector<64x1xi1>, vector<64x1xi32>
    %reduce_min3A_202 = vector.shape_cast %select_n3A_201 : vector<64x1xi32> to vector<1x64x1xi32>
    %reduce_min3A_203 = arith.constant dense<2147483647> : vector<1xi32>
    %reduce_min3A_204 = vector.multi_reduction <minsi>, %reduce_min3A_202, %reduce_min3A_203 [1, 2] : vector<1x64x1xi32> to vector<1xi32>
    %reduce_min3A_205 = vector.shape_cast %reduce_min3A_204 : vector<1xi32> to vector<1x1x1xi32>
    %reduce_min3A_206 = vector.extract %reduce_min3A_205[0, 0, 0] : i32 from vector<1x1x1xi32>
    %eq3A_207 = vector.broadcast %reduce_min3A_206 : i32 to vector<64x1xi32>
    %eq3A_208 = arith.cmpi eq, %iota3A, %eq3A_207 : vector<64x1xi32>
    %jit3A_209 = arith.constant 0xFF800000 : f32
    %broadcast_in_dim3A_210 = vector.broadcast %jit3A_209 : f32 to vector<64x1xf32>
    %select_n3A_211 = arith.select %eq3A_208, %broadcast_in_dim3A_210, %select_n3A_171 : vector<64x1xi1>, vector<64x1xf32>
    %eq3A_212 = arith.constant 4 : i32
    %eq3A_213 = vector.broadcast %eq3A_212 : i32 to vector<10x64xi32>
    %eq3A_214 = arith.cmpi eq, %iota3A_32, %eq3A_213 : vector<10x64xi32>
    %eq3A_215 = vector.broadcast %reduce_min3A_206 : i32 to vector<10x64xi32>
    %eq3A_216 = arith.cmpi eq, %iota3A_33, %eq3A_215 : vector<10x64xi32>
    %and3A_217 = arith.andi %eq3A_214, %eq3A_216 : vector<10x64xi1>
    %jit3A_218 = arith.constant 1.000000e+00 : f32
    %jit3A_219 = arith.constant 0.000000e+00 : f32
    %broadcast_in_dim3A_220 = vector.broadcast %jit3A_218 : f32 to vector<10x64xf32>
    %broadcast_in_dim3A_221 = vector.broadcast %jit3A_219 : f32 to vector<10x64xf32>
    %select_n3A_222 = arith.select %and3A_217, %broadcast_in_dim3A_220, %broadcast_in_dim3A_221 : vector<10x64xi1>, vector<10x64xf32>
    %add3A_223 = arith.addf %add3A_183, %select_n3A_222 : vector<10x64xf32>
    %eq3A_224 = arith.constant 4 : i32
    %eq3A_225 = vector.broadcast %eq3A_224 : i32 to vector<10x1xi32>
    %eq3A_226 = arith.cmpi eq, %iota3A_34, %eq3A_225 : vector<10x1xi32>
    %jit3A_227 = arith.constant 0.000000e+00 : f32
    %broadcast_in_dim3A_228 = vector.broadcast %reduce_max3A_196 : f32 to vector<10x1xf32>
    %broadcast_in_dim3A_229 = vector.broadcast %jit3A_227 : f32 to vector<10x1xf32>
    %select_n3A_230 = arith.select %eq3A_226, %broadcast_in_dim3A_228, %broadcast_in_dim3A_229 : vector<10x1xi1>, vector<10x1xf32>
    %add3A_231 = arith.addf %add3A_191, %select_n3A_230 : vector<10x1xf32>
    %reduce_max3A_232 = vector.shape_cast %select_n3A_211 : vector<64x1xf32> to vector<1x64x1xf32>
    %reduce_max3A_233 = arith.constant dense<0xFF800000> : vector<1xf32>
    %reduce_max3A_234 = vector.multi_reduction <maximumf>, %reduce_max3A_232, %reduce_max3A_233 [1, 2] : vector<1x64x1xf32> to vector<1xf32>
    %reduce_max3A_235 = vector.shape_cast %reduce_max3A_234 : vector<1xf32> to vector<1x1x1xf32>
    %reduce_max3A_236 = vector.extract %reduce_max3A_235[0, 0, 0] : f32 from vector<1x1x1xf32>
    %eq3A_237 = vector.broadcast %reduce_max3A_236 : f32 to vector<64x1xf32>
    %eq3A_238 = arith.cmpf oeq, %select_n3A_211, %eq3A_237 : vector<64x1xf32>
    %jit3A_239 = arith.constant 64 : i32
    %broadcast_in_dim3A_240 = vector.broadcast %jit3A_239 : i32 to vector<64x1xi32>
    %select_n3A_241 = arith.select %eq3A_238, %iota3A, %broadcast_in_dim3A_240 : vector<64x1xi1>, vector<64x1xi32>
    %reduce_min3A_242 = vector.shape_cast %select_n3A_241 : vector<64x1xi32> to vector<1x64x1xi32>
    %reduce_min3A_243 = arith.constant dense<2147483647> : vector<1xi32>
    %reduce_min3A_244 = vector.multi_reduction <minsi>, %reduce_min3A_242, %reduce_min3A_243 [1, 2] : vector<1x64x1xi32> to vector<1xi32>
    %reduce_min3A_245 = vector.shape_cast %reduce_min3A_244 : vector<1xi32> to vector<1x1x1xi32>
    %reduce_min3A_246 = vector.extract %reduce_min3A_245[0, 0, 0] : i32 from vector<1x1x1xi32>
    %eq3A_247 = vector.broadcast %reduce_min3A_246 : i32 to vector<64x1xi32>
    %eq3A_248 = arith.cmpi eq, %iota3A, %eq3A_247 : vector<64x1xi32>
    %jit3A_249 = arith.constant 0xFF800000 : f32
    %broadcast_in_dim3A_250 = vector.broadcast %jit3A_249 : f32 to vector<64x1xf32>
    %select_n3A_251 = arith.select %eq3A_248, %broadcast_in_dim3A_250, %select_n3A_211 : vector<64x1xi1>, vector<64x1xf32>
    %eq3A_252 = arith.constant 5 : i32
    %eq3A_253 = vector.broadcast %eq3A_252 : i32 to vector<10x64xi32>
    %eq3A_254 = arith.cmpi eq, %iota3A_32, %eq3A_253 : vector<10x64xi32>
    %eq3A_255 = vector.broadcast %reduce_min3A_246 : i32 to vector<10x64xi32>
    %eq3A_256 = arith.cmpi eq, %iota3A_33, %eq3A_255 : vector<10x64xi32>
    %and3A_257 = arith.andi %eq3A_254, %eq3A_256 : vector<10x64xi1>
    %jit3A_258 = arith.constant 1.000000e+00 : f32
    %jit3A_259 = arith.constant 0.000000e+00 : f32
    %broadcast_in_dim3A_260 = vector.broadcast %jit3A_258 : f32 to vector<10x64xf32>
    %broadcast_in_dim3A_261 = vector.broadcast %jit3A_259 : f32 to vector<10x64xf32>
    %select_n3A_262 = arith.select %and3A_257, %broadcast_in_dim3A_260, %broadcast_in_dim3A_261 : vector<10x64xi1>, vector<10x64xf32>
    %add3A_263 = arith.addf %add3A_223, %select_n3A_262 : vector<10x64xf32>
    %eq3A_264 = arith.constant 5 : i32
    %eq3A_265 = vector.broadcast %eq3A_264 : i32 to vector<10x1xi32>
    %eq3A_266 = arith.cmpi eq, %iota3A_34, %eq3A_265 : vector<10x1xi32>
    %jit3A_267 = arith.constant 0.000000e+00 : f32
    %broadcast_in_dim3A_268 = vector.broadcast %reduce_max3A_236 : f32 to vector<10x1xf32>
    %broadcast_in_dim3A_269 = vector.broadcast %jit3A_267 : f32 to vector<10x1xf32>
    %select_n3A_270 = arith.select %eq3A_266, %broadcast_in_dim3A_268, %broadcast_in_dim3A_269 : vector<10x1xi1>, vector<10x1xf32>
    %add3A_271 = arith.addf %add3A_231, %select_n3A_270 : vector<10x1xf32>
    %reduce_max3A_272 = vector.shape_cast %select_n3A_251 : vector<64x1xf32> to vector<1x64x1xf32>
    %reduce_max3A_273 = arith.constant dense<0xFF800000> : vector<1xf32>
    %reduce_max3A_274 = vector.multi_reduction <maximumf>, %reduce_max3A_272, %reduce_max3A_273 [1, 2] : vector<1x64x1xf32> to vector<1xf32>
    %reduce_max3A_275 = vector.shape_cast %reduce_max3A_274 : vector<1xf32> to vector<1x1x1xf32>
    %reduce_max3A_276 = vector.extract %reduce_max3A_275[0, 0, 0] : f32 from vector<1x1x1xf32>
    %eq3A_277 = vector.broadcast %reduce_max3A_276 : f32 to vector<64x1xf32>
    %eq3A_278 = arith.cmpf oeq, %select_n3A_251, %eq3A_277 : vector<64x1xf32>
    %jit3A_279 = arith.constant 64 : i32
    %broadcast_in_dim3A_280 = vector.broadcast %jit3A_279 : i32 to vector<64x1xi32>
    %select_n3A_281 = arith.select %eq3A_278, %iota3A, %broadcast_in_dim3A_280 : vector<64x1xi1>, vector<64x1xi32>
    %reduce_min3A_282 = vector.shape_cast %select_n3A_281 : vector<64x1xi32> to vector<1x64x1xi32>
    %reduce_min3A_283 = arith.constant dense<2147483647> : vector<1xi32>
    %reduce_min3A_284 = vector.multi_reduction <minsi>, %reduce_min3A_282, %reduce_min3A_283 [1, 2] : vector<1x64x1xi32> to vector<1xi32>
    %reduce_min3A_285 = vector.shape_cast %reduce_min3A_284 : vector<1xi32> to vector<1x1x1xi32>
    %reduce_min3A_286 = vector.extract %reduce_min3A_285[0, 0, 0] : i32 from vector<1x1x1xi32>
    %eq3A_287 = vector.broadcast %reduce_min3A_286 : i32 to vector<64x1xi32>
    %eq3A_288 = arith.cmpi eq, %iota3A, %eq3A_287 : vector<64x1xi32>
    %jit3A_289 = arith.constant 0xFF800000 : f32
    %broadcast_in_dim3A_290 = vector.broadcast %jit3A_289 : f32 to vector<64x1xf32>
    %select_n3A_291 = arith.select %eq3A_288, %broadcast_in_dim3A_290, %select_n3A_251 : vector<64x1xi1>, vector<64x1xf32>
    %eq3A_292 = arith.constant 6 : i32
    %eq3A_293 = vector.broadcast %eq3A_292 : i32 to vector<10x64xi32>
    %eq3A_294 = arith.cmpi eq, %iota3A_32, %eq3A_293 : vector<10x64xi32>
    %eq3A_295 = vector.broadcast %reduce_min3A_286 : i32 to vector<10x64xi32>
    %eq3A_296 = arith.cmpi eq, %iota3A_33, %eq3A_295 : vector<10x64xi32>
    %and3A_297 = arith.andi %eq3A_294, %eq3A_296 : vector<10x64xi1>
    %jit3A_298 = arith.constant 1.000000e+00 : f32
    %jit3A_299 = arith.constant 0.000000e+00 : f32
    %broadcast_in_dim3A_300 = vector.broadcast %jit3A_298 : f32 to vector<10x64xf32>
    %broadcast_in_dim3A_301 = vector.broadcast %jit3A_299 : f32 to vector<10x64xf32>
    %select_n3A_302 = arith.select %and3A_297, %broadcast_in_dim3A_300, %broadcast_in_dim3A_301 : vector<10x64xi1>, vector<10x64xf32>
    %add3A_303 = arith.addf %add3A_263, %select_n3A_302 : vector<10x64xf32>
    %eq3A_304 = arith.constant 6 : i32
    %eq3A_305 = vector.broadcast %eq3A_304 : i32 to vector<10x1xi32>
    %eq3A_306 = arith.cmpi eq, %iota3A_34, %eq3A_305 : vector<10x1xi32>
    %jit3A_307 = arith.constant 0.000000e+00 : f32
    %broadcast_in_dim3A_308 = vector.broadcast %reduce_max3A_276 : f32 to vector<10x1xf32>
    %broadcast_in_dim3A_309 = vector.broadcast %jit3A_307 : f32 to vector<10x1xf32>
    %select_n3A_310 = arith.select %eq3A_306, %broadcast_in_dim3A_308, %broadcast_in_dim3A_309 : vector<10x1xi1>, vector<10x1xf32>
    %add3A_311 = arith.addf %add3A_271, %select_n3A_310 : vector<10x1xf32>
    %reduce_max3A_312 = vector.shape_cast %select_n3A_291 : vector<64x1xf32> to vector<1x64x1xf32>
    %reduce_max3A_313 = arith.constant dense<0xFF800000> : vector<1xf32>
    %reduce_max3A_314 = vector.multi_reduction <maximumf>, %reduce_max3A_312, %reduce_max3A_313 [1, 2] : vector<1x64x1xf32> to vector<1xf32>
    %reduce_max3A_315 = vector.shape_cast %reduce_max3A_314 : vector<1xf32> to vector<1x1x1xf32>
    %reduce_max3A_316 = vector.extract %reduce_max3A_315[0, 0, 0] : f32 from vector<1x1x1xf32>
    %eq3A_317 = vector.broadcast %reduce_max3A_316 : f32 to vector<64x1xf32>
    %eq3A_318 = arith.cmpf oeq, %select_n3A_291, %eq3A_317 : vector<64x1xf32>
    %jit3A_319 = arith.constant 64 : i32
    %broadcast_in_dim3A_320 = vector.broadcast %jit3A_319 : i32 to vector<64x1xi32>
    %select_n3A_321 = arith.select %eq3A_318, %iota3A, %broadcast_in_dim3A_320 : vector<64x1xi1>, vector<64x1xi32>
    %reduce_min3A_322 = vector.shape_cast %select_n3A_321 : vector<64x1xi32> to vector<1x64x1xi32>
    %reduce_min3A_323 = arith.constant dense<2147483647> : vector<1xi32>
    %reduce_min3A_324 = vector.multi_reduction <minsi>, %reduce_min3A_322, %reduce_min3A_323 [1, 2] : vector<1x64x1xi32> to vector<1xi32>
    %reduce_min3A_325 = vector.shape_cast %reduce_min3A_324 : vector<1xi32> to vector<1x1x1xi32>
    %reduce_min3A_326 = vector.extract %reduce_min3A_325[0, 0, 0] : i32 from vector<1x1x1xi32>
    %eq3A_327 = vector.broadcast %reduce_min3A_326 : i32 to vector<64x1xi32>
    %eq3A_328 = arith.cmpi eq, %iota3A, %eq3A_327 : vector<64x1xi32>
    %jit3A_329 = arith.constant 0xFF800000 : f32
    %broadcast_in_dim3A_330 = vector.broadcast %jit3A_329 : f32 to vector<64x1xf32>
    %select_n3A_331 = arith.select %eq3A_328, %broadcast_in_dim3A_330, %select_n3A_291 : vector<64x1xi1>, vector<64x1xf32>
    %eq3A_332 = arith.constant 7 : i32
    %eq3A_333 = vector.broadcast %eq3A_332 : i32 to vector<10x64xi32>
    %eq3A_334 = arith.cmpi eq, %iota3A_32, %eq3A_333 : vector<10x64xi32>
    %eq3A_335 = vector.broadcast %reduce_min3A_326 : i32 to vector<10x64xi32>
    %eq3A_336 = arith.cmpi eq, %iota3A_33, %eq3A_335 : vector<10x64xi32>
    %and3A_337 = arith.andi %eq3A_334, %eq3A_336 : vector<10x64xi1>
    %jit3A_338 = arith.constant 1.000000e+00 : f32
    %jit3A_339 = arith.constant 0.000000e+00 : f32
    %broadcast_in_dim3A_340 = vector.broadcast %jit3A_338 : f32 to vector<10x64xf32>
    %broadcast_in_dim3A_341 = vector.broadcast %jit3A_339 : f32 to vector<10x64xf32>
    %select_n3A_342 = arith.select %and3A_337, %broadcast_in_dim3A_340, %broadcast_in_dim3A_341 : vector<10x64xi1>, vector<10x64xf32>
    %add3A_343 = arith.addf %add3A_303, %select_n3A_342 : vector<10x64xf32>
    %eq3A_344 = arith.constant 7 : i32
    %eq3A_345 = vector.broadcast %eq3A_344 : i32 to vector<10x1xi32>
    %eq3A_346 = arith.cmpi eq, %iota3A_34, %eq3A_345 : vector<10x1xi32>
    %jit3A_347 = arith.constant 0.000000e+00 : f32
    %broadcast_in_dim3A_348 = vector.broadcast %reduce_max3A_316 : f32 to vector<10x1xf32>
    %broadcast_in_dim3A_349 = vector.broadcast %jit3A_347 : f32 to vector<10x1xf32>
    %select_n3A_350 = arith.select %eq3A_346, %broadcast_in_dim3A_348, %broadcast_in_dim3A_349 : vector<10x1xi1>, vector<10x1xf32>
    %add3A_351 = arith.addf %add3A_311, %select_n3A_350 : vector<10x1xf32>
    %reduce_max3A_352 = vector.shape_cast %select_n3A_331 : vector<64x1xf32> to vector<1x64x1xf32>
    %reduce_max3A_353 = arith.constant dense<0xFF800000> : vector<1xf32>
    %reduce_max3A_354 = vector.multi_reduction <maximumf>, %reduce_max3A_352, %reduce_max3A_353 [1, 2] : vector<1x64x1xf32> to vector<1xf32>
    %reduce_max3A_355 = vector.shape_cast %reduce_max3A_354 : vector<1xf32> to vector<1x1x1xf32>
    %reduce_max3A_356 = vector.extract %reduce_max3A_355[0, 0, 0] : f32 from vector<1x1x1xf32>
    %eq3A_357 = vector.broadcast %reduce_max3A_356 : f32 to vector<64x1xf32>
    %eq3A_358 = arith.cmpf oeq, %select_n3A_331, %eq3A_357 : vector<64x1xf32>
    %jit3A_359 = arith.constant 64 : i32
    %broadcast_in_dim3A_360 = vector.broadcast %jit3A_359 : i32 to vector<64x1xi32>
    %select_n3A_361 = arith.select %eq3A_358, %iota3A, %broadcast_in_dim3A_360 : vector<64x1xi1>, vector<64x1xi32>
    %reduce_min3A_362 = vector.shape_cast %select_n3A_361 : vector<64x1xi32> to vector<1x64x1xi32>
    %reduce_min3A_363 = arith.constant dense<2147483647> : vector<1xi32>
    %reduce_min3A_364 = vector.multi_reduction <minsi>, %reduce_min3A_362, %reduce_min3A_363 [1, 2] : vector<1x64x1xi32> to vector<1xi32>
    %reduce_min3A_365 = vector.shape_cast %reduce_min3A_364 : vector<1xi32> to vector<1x1x1xi32>
    %reduce_min3A_366 = vector.extract %reduce_min3A_365[0, 0, 0] : i32 from vector<1x1x1xi32>
    %eq3A_367 = vector.broadcast %reduce_min3A_366 : i32 to vector<64x1xi32>
    %eq3A_368 = arith.cmpi eq, %iota3A, %eq3A_367 : vector<64x1xi32>
    %jit3A_369 = arith.constant 0xFF800000 : f32
    %broadcast_in_dim3A_370 = vector.broadcast %jit3A_369 : f32 to vector<64x1xf32>
    %select_n3A_371 = arith.select %eq3A_368, %broadcast_in_dim3A_370, %select_n3A_331 : vector<64x1xi1>, vector<64x1xf32>
    %eq3A_372 = arith.constant 8 : i32
    %eq3A_373 = vector.broadcast %eq3A_372 : i32 to vector<10x64xi32>
    %eq3A_374 = arith.cmpi eq, %iota3A_32, %eq3A_373 : vector<10x64xi32>
    %eq3A_375 = vector.broadcast %reduce_min3A_366 : i32 to vector<10x64xi32>
    %eq3A_376 = arith.cmpi eq, %iota3A_33, %eq3A_375 : vector<10x64xi32>
    %and3A_377 = arith.andi %eq3A_374, %eq3A_376 : vector<10x64xi1>
    %jit3A_378 = arith.constant 1.000000e+00 : f32
    %jit3A_379 = arith.constant 0.000000e+00 : f32
    %broadcast_in_dim3A_380 = vector.broadcast %jit3A_378 : f32 to vector<10x64xf32>
    %broadcast_in_dim3A_381 = vector.broadcast %jit3A_379 : f32 to vector<10x64xf32>
    %select_n3A_382 = arith.select %and3A_377, %broadcast_in_dim3A_380, %broadcast_in_dim3A_381 : vector<10x64xi1>, vector<10x64xf32>
    %add3A_383 = arith.addf %add3A_343, %select_n3A_382 : vector<10x64xf32>
    %eq3A_384 = arith.constant 8 : i32
    %eq3A_385 = vector.broadcast %eq3A_384 : i32 to vector<10x1xi32>
    %eq3A_386 = arith.cmpi eq, %iota3A_34, %eq3A_385 : vector<10x1xi32>
    %jit3A_387 = arith.constant 0.000000e+00 : f32
    %broadcast_in_dim3A_388 = vector.broadcast %reduce_max3A_356 : f32 to vector<10x1xf32>
    %broadcast_in_dim3A_389 = vector.broadcast %jit3A_387 : f32 to vector<10x1xf32>
    %select_n3A_390 = arith.select %eq3A_386, %broadcast_in_dim3A_388, %broadcast_in_dim3A_389 : vector<10x1xi1>, vector<10x1xf32>
    %add3A_391 = arith.addf %add3A_351, %select_n3A_390 : vector<10x1xf32>
    %reduce_max3A_392 = vector.shape_cast %select_n3A_371 : vector<64x1xf32> to vector<1x64x1xf32>
    %reduce_max3A_393 = arith.constant dense<0xFF800000> : vector<1xf32>
    %reduce_max3A_394 = vector.multi_reduction <maximumf>, %reduce_max3A_392, %reduce_max3A_393 [1, 2] : vector<1x64x1xf32> to vector<1xf32>
    %reduce_max3A_395 = vector.shape_cast %reduce_max3A_394 : vector<1xf32> to vector<1x1x1xf32>
    %reduce_max3A_396 = vector.extract %reduce_max3A_395[0, 0, 0] : f32 from vector<1x1x1xf32>
    %eq3A_397 = vector.broadcast %reduce_max3A_396 : f32 to vector<64x1xf32>
    %eq3A_398 = arith.cmpf oeq, %select_n3A_371, %eq3A_397 : vector<64x1xf32>
    %jit3A_399 = arith.constant 64 : i32
    %broadcast_in_dim3A_400 = vector.broadcast %jit3A_399 : i32 to vector<64x1xi32>
    %select_n3A_401 = arith.select %eq3A_398, %iota3A, %broadcast_in_dim3A_400 : vector<64x1xi1>, vector<64x1xi32>
    %reduce_min3A_402 = vector.shape_cast %select_n3A_401 : vector<64x1xi32> to vector<1x64x1xi32>
    %reduce_min3A_403 = arith.constant dense<2147483647> : vector<1xi32>
    %reduce_min3A_404 = vector.multi_reduction <minsi>, %reduce_min3A_402, %reduce_min3A_403 [1, 2] : vector<1x64x1xi32> to vector<1xi32>
    %reduce_min3A_405 = vector.shape_cast %reduce_min3A_404 : vector<1xi32> to vector<1x1x1xi32>
    %reduce_min3A_406 = vector.extract %reduce_min3A_405[0, 0, 0] : i32 from vector<1x1x1xi32>
    %eq3A_407 = arith.constant 9 : i32
    %eq3A_408 = vector.broadcast %eq3A_407 : i32 to vector<10x64xi32>
    %eq3A_409 = arith.cmpi eq, %iota3A_32, %eq3A_408 : vector<10x64xi32>
    %eq3A_410 = vector.broadcast %reduce_min3A_406 : i32 to vector<10x64xi32>
    %eq3A_411 = arith.cmpi eq, %iota3A_33, %eq3A_410 : vector<10x64xi32>
    %and3A_412 = arith.andi %eq3A_409, %eq3A_411 : vector<10x64xi1>
    %jit3A_413 = arith.constant 1.000000e+00 : f32
    %jit3A_414 = arith.constant 0.000000e+00 : f32
    %broadcast_in_dim3A_415 = vector.broadcast %jit3A_413 : f32 to vector<10x64xf32>
    %broadcast_in_dim3A_416 = vector.broadcast %jit3A_414 : f32 to vector<10x64xf32>
    %select_n3A_417 = arith.select %and3A_412, %broadcast_in_dim3A_415, %broadcast_in_dim3A_416 : vector<10x64xi1>, vector<10x64xf32>
    %add3A_418 = arith.addf %add3A_383, %select_n3A_417 : vector<10x64xf32>
    %eq3A_419 = arith.constant 9 : i32
    %eq3A_420 = vector.broadcast %eq3A_419 : i32 to vector<10x1xi32>
    %eq3A_421 = arith.cmpi eq, %iota3A_34, %eq3A_420 : vector<10x1xi32>
    %jit3A_422 = arith.constant 0.000000e+00 : f32
    %broadcast_in_dim3A_423 = vector.broadcast %reduce_max3A_396 : f32 to vector<10x1xf32>
    %broadcast_in_dim3A_424 = vector.broadcast %jit3A_422 : f32 to vector<10x1xf32>
    %select_n3A_425 = arith.select %eq3A_421, %broadcast_in_dim3A_423, %broadcast_in_dim3A_424 : vector<10x1xi1>, vector<10x1xf32>
    %add3A_426 = arith.addf %add3A_391, %select_n3A_425 : vector<10x1xf32>
    %swap3A_427 = arith.constant 0 : index
    %swap3A_428 = arith.constant 0 : index
    %swap3A_429 = vector.load %arg4[%swap3A_427, %swap3A_428] : memref<10x1xf32, #tpu.memory_space<vmem>>, vector<10x1xf32>
    tpu.vector_store %arg4[%swap3A_427, %swap3A_428], %add3A_426 {strides = array<i32>} : memref<10x1xf32, #tpu.memory_space<vmem>>, vector<10x1xf32>,
    %dot_general3A_430 = arith.constant dense<0.000000e+00> : vector<10x256xf32>
    %dot_general3A_431 = tpu.matmul %add3A_418, %max3A_22, %dot_general3A_430 {dimension_numbers = #tpu.dot_dimension_numbers<[1], [0], [0], [1], [0, 0, 1, 1], [], []>, transpose_lhs_hint = false} : vector<10x64xf32>, vector<64x256xf32>, vector<10x256xf32> -> vector<10x256xf32>
    %swap3A_432 = arith.constant 0 : index
    %swap3A_433 = arith.constant 0 : index
    %swap3A_434 = vector.load %arg5[%swap3A_432, %swap3A_433] : memref<10x256xf32, #tpu.memory_space<vmem>>, vector<10x256xf32>
    tpu.vector_store %arg5[%swap3A_432, %swap3A_433], %dot_general3A_431 {strides = array<i32>} : memref<10x256xf32, #tpu.memory_space<vmem>>, vector<10x256xf32>,
    return
  }
}

module attributes {stable_mosaic.version = 14 : i64} {
  func.func @_phase_a_body(%arg0: i32, %arg1: memref<1024x512xf32, #tpu.memory_space<vmem>>, %arg2: memref<2000x512xf32, #tpu.memory_space<vmem>>, %arg3: memref<1024x1xf32, #tpu.memory_space<vmem>>, %arg4: memref<1x512xf32, #tpu.memory_space<vmem>>, %arg5: memref<1x512xf32, #tpu.memory_space<vmem>>, %arg6: memref<1024x16xf32, #tpu.memory_space<vmem>>) attributes {dimension_semantics = [#tpu.dimension_semantics<arbitrary>], iteration_bounds = array<i64: 50>, scalar_prefetch = 0 : i64, scratch_operands = 1 : i64, tpu.core_type = #tpu.core_type<tc>, window_params = [{pipeline_mode = #tpu.pipeline_mode<synchronous>, transform_indices = @transform_0, window_bounds = array<i64: 1024, 512>}, {transform_indices = @transform_1, window_bounds = array<i64: 2000, 512>}, {pipeline_mode = #tpu.pipeline_mode<synchronous>, transform_indices = @transform_2, window_bounds = array<i64: 1024, 1>}, {pipeline_mode = #tpu.pipeline_mode<synchronous>, transform_indices = @transform_3, window_bounds = array<i64: 1, 512>}, {pipeline_mode = #tpu.pipeline_mode<synchronous>, transform_indices = @transform_4, window_bounds = array<i64: 1, 512>}]} {
    %eq3A = arith.constant 0 : i32
    %eq3A_0 = arith.cmpi eq, %arg0, %eq3A : i32
    %convert_element_type3A = arith.extui %eq3A_0 : i1 to i32
    %cond3A = arith.constant 0 : i32
    %cond3A_1 = arith.cmpi ne, %convert_element_type3A, %cond3A : i32
    scf.if %cond3A_1 {
      %broadcast_in_dim3A_32 = arith.constant 0xFF800000 : f32
      %broadcast_in_dim3A_33 = vector.broadcast %broadcast_in_dim3A_32 : f32 to vector<1024x16xf32>
      %swap3A_34 = arith.constant 0 : index
      %swap3A_35 = arith.constant 0 : index
      %swap3A_36 = vector.load %arg6[%swap3A_34, %swap3A_35] : memref<1024x16xf32, #tpu.memory_space<vmem>>, vector<1024x16xf32>
      tpu.vector_store %arg6[%swap3A_34, %swap3A_35], %broadcast_in_dim3A_33 {strides = array<i32>} : memref<1024x16xf32, #tpu.memory_space<vmem>>, vector<1024x16xf32>,
      %get3A_37 = arith.constant 0 : index
      %get3A_38 = arith.constant 0 : index
      %get3A_39 = vector.load %arg1[%get3A_37, %get3A_38] : memref<1024x512xf32, #tpu.memory_space<vmem>>, vector<1024x512xf32>
      %reduce_sum3A = arith.constant dense<0.000000e+00> : vector<512xf32>
      %reduce_sum3A_40 = vector.multi_reduction <add>, %get3A_39, %reduce_sum3A [0] : vector<1024x512xf32> to vector<512xf32>
      %broadcast_in_dim3A_41 = vector.shape_cast %reduce_sum3A_40 : vector<512xf32> to vector<1x512xf32>
      %div3A = arith.constant 1.024000e+03 : f32
      %div3A_42 = vector.broadcast %div3A : f32 to vector<1x512xf32>
      %div3A_43 = arith.divf %broadcast_in_dim3A_41, %div3A_42 : vector<1x512xf32>
      %swap3A_44 = arith.constant 0 : index
      %swap3A_45 = arith.constant 0 : index
      %swap3A_46 = vector.load %arg5[%swap3A_44, %swap3A_45] : memref<1x512xf32, #tpu.memory_space<vmem>>, vector<1x512xf32>
      tpu.vector_store %arg5[%swap3A_44, %swap3A_45], %div3A_43 {strides = array<i32>} : memref<1x512xf32, #tpu.memory_space<vmem>>, vector<1x512xf32>,
    } else {
    }
    %get3A = arith.constant 0 : index
    %get3A_2 = arith.constant 0 : index
    %get3A_3 = vector.load %arg1[%get3A, %get3A_2] : memref<1024x512xf32, #tpu.memory_space<vmem>>, vector<1024x512xf32>
    %get3A_4 = arith.constant 0 : index
    %get3A_5 = arith.constant 0 : index
    %get3A_6 = vector.load %arg2[%get3A_4, %get3A_5] : memref<2000x512xf32, #tpu.memory_space<vmem>>, vector<2000x512xf32>
    %dot_general3A = arith.constant dense<0.000000e+00> : vector<1024x2000xf32>
    %dot_general3A_7 = tpu.matmul %get3A_3, %get3A_6, %dot_general3A {dimension_numbers = #tpu.dot_dimension_numbers<[1], [1], [0], [0], [0, 0, 1, 0], [], []>, transpose_lhs_hint = false} : vector<1024x512xf32>, vector<2000x512xf32>, vector<1024x2000xf32> -> vector<1024x2000xf32>
    %iota3A = tpu.iota {dimensions = array<i32: 1>} : vector<1024x2000xi32>
    %iota3A_8 = tpu.iota {dimensions = array<i32: 1>} : vector<1024x16xi32>
    %get3A_9 = arith.constant 0 : index
    %get3A_10 = arith.constant 0 : index
    %get3A_11 = vector.load %arg6[%get3A_9, %get3A_10] : memref<1024x16xf32, #tpu.memory_space<vmem>>, vector<1024x16xf32>
    %slice3A = vector.extract_strided_slice %get3A_11 {offsets = [0, 9], sizes = [1024, 1], strides = [1, 1]} : vector<1024x16xf32> to vector<1024x1xf32>
    %reduce_max3A = arith.constant dense<0xFF800000> : vector<1024xf32>
    %reduce_max3A_12 = vector.multi_reduction <maximumf>, %dot_general3A_7, %reduce_max3A [1] : vector<1024x2000xf32> to vector<1024xf32>
    %broadcast_in_dim3A = vector.shape_cast %reduce_max3A_12 : vector<1024xf32> to vector<1024x1xf32>
    %gt3A = arith.cmpf ogt, %broadcast_in_dim3A, %slice3A : vector<1024x1xf32>
    %reduce_or3A = arith.constant 1.000000e+00 : f32
    %reduce_or3A_13 = arith.constant 0.000000e+00 : f32
    %reduce_or3A_14 = vector.broadcast %reduce_or3A : f32 to vector<1024x1xf32>
    %reduce_or3A_15 = vector.broadcast %reduce_or3A_13 : f32 to vector<1024x1xf32>
    %reduce_or3A_16 = arith.select %gt3A, %reduce_or3A_14, %reduce_or3A_15 : vector<1024x1xi1>, vector<1024x1xf32>
    %reduce_or3A_17 = vector.shape_cast %reduce_or3A_16 : vector<1024x1xf32> to vector<1x1024x1xf32>
    %reduce_or3A_18 = arith.constant dense<0xFF800000> : vector<1xf32>
    %reduce_or3A_19 = vector.multi_reduction <maximumf>, %reduce_or3A_17, %reduce_or3A_18 [1, 2] : vector<1x1024x1xf32> to vector<1xf32>
    %reduce_or3A_20 = vector.shape_cast %reduce_or3A_19 : vector<1xf32> to vector<1x1x1xf32>
    %reduce_or3A_21 = vector.extract %reduce_or3A_20[0, 0, 0] : f32 from vector<1x1x1xf32>
    %reduce_or3A_22 = arith.constant 0.000000e+00 : f32
    %reduce_or3A_23 = arith.cmpf ogt, %reduce_or3A_21, %reduce_or3A_22 : f32
    %while3A = arith.constant 0 : i32
    %while3A_24:4 = scf.while (%while3A_32 = %dot_general3A_7, %while3A_33 = %get3A_11, %while3A_34 = %reduce_or3A_23, %while3A_35 = %while3A) : (vector<1024x2000xf32>, vector<1024x16xf32>, i1, i32) -> (vector<1024x2000xf32>, vector<1024x16xf32>, i1, i32) {
      %lt3A = arith.constant 10 : i32
      %lt3A_36 = arith.cmpi slt, %while3A_35, %lt3A : i32
      %and3A = arith.andi %while3A_34, %lt3A_36 : i1
      scf.condition(%and3A) %while3A_32, %while3A_33, %while3A_34, %while3A_35 : vector<1024x2000xf32>, vector<1024x16xf32>, i1, i32
    } do {
    ^bb0(%while3A_32: vector<1024x2000xf32>, %while3A_33: vector<1024x16xf32>, %while3A_34: i1, %while3A_35: i32):
      %reduce_max3A_36 = arith.constant dense<0xFF800000> : vector<1024xf32>
      %reduce_max3A_37 = vector.multi_reduction <maximumf>, %while3A_32, %reduce_max3A_36 [1] : vector<1024x2000xf32> to vector<1024xf32>
      %broadcast_in_dim3A_38 = vector.shape_cast %reduce_max3A_37 : vector<1024xf32> to vector<1024x1xf32>
      %eq3A_39 = vector.broadcast %broadcast_in_dim3A_38 : vector<1024x1xf32> to vector<1024x2000xf32>
      %eq3A_40 = arith.cmpf oeq, %while3A_32, %eq3A_39 : vector<1024x2000xf32>
      %jit3A = arith.constant 2000 : i32
      %broadcast_in_dim3A_41 = vector.broadcast %jit3A : i32 to vector<1024x2000xi32>
      %select_n3A = arith.select %eq3A_40, %iota3A, %broadcast_in_dim3A_41 : vector<1024x2000xi1>, vector<1024x2000xi32>
      %reduce_min3A = arith.constant dense<2147483647> : vector<1024xi32>
      %reduce_min3A_42 = vector.multi_reduction <minsi>, %select_n3A, %reduce_min3A [1] : vector<1024x2000xi32> to vector<1024xi32>
      %broadcast_in_dim3A_43 = vector.shape_cast %reduce_min3A_42 : vector<1024xi32> to vector<1024x1xi32>
      %eq3A_44 = vector.broadcast %broadcast_in_dim3A_43 : vector<1024x1xi32> to vector<1024x2000xi32>
      %eq3A_45 = arith.cmpi eq, %iota3A, %eq3A_44 : vector<1024x2000xi32>
      %jit3A_46 = arith.constant 0xFF800000 : f32
      %broadcast_in_dim3A_47 = vector.broadcast %jit3A_46 : f32 to vector<1024x2000xf32>
      %select_n3A_48 = arith.select %eq3A_45, %broadcast_in_dim3A_47, %while3A_32 : vector<1024x2000xi1>, vector<1024x2000xf32>
      %gt3A_49 = vector.broadcast %broadcast_in_dim3A_38 : vector<1024x1xf32> to vector<1024x16xf32>
      %gt3A_50 = arith.cmpf ogt, %while3A_33, %gt3A_49 : vector<1024x16xf32>
      %convert_element_type3A_51 = arith.extui %gt3A_50 : vector<1024x16xi1> to vector<1024x16xi32>
      %reduce_sum3A = arith.constant dense<0> : vector<1024xi32>
      %reduce_sum3A_52 = vector.multi_reduction <add>, %convert_element_type3A_51, %reduce_sum3A [1] : vector<1024x16xi32> to vector<1024xi32>
      %broadcast_in_dim3A_53 = vector.shape_cast %reduce_sum3A_52 : vector<1024xi32> to vector<1024x1xi32>
      %broadcast_in_dim3A_54 = arith.constant 0xFF800000 : f32
      %broadcast_in_dim3A_55 = vector.broadcast %broadcast_in_dim3A_54 : f32 to vector<1024x1xf32>
      %slice3A_56 = vector.extract_strided_slice %while3A_33 {offsets = [0, 0], sizes = [1024, 15], strides = [1, 1]} : vector<1024x16xf32> to vector<1024x15xf32>
      %concatenate3A = tpu.concatenate %broadcast_in_dim3A_55, %slice3A_56 in 1 : vector<1024x1xf32>, vector<1024x15xf32> -> vector<1024x16xf32>
      %lt3A = vector.broadcast %broadcast_in_dim3A_53 : vector<1024x1xi32> to vector<1024x16xi32>
      %lt3A_57 = arith.cmpi slt, %iota3A_8, %lt3A : vector<1024x16xi32>
      %eq3A_58 = vector.broadcast %broadcast_in_dim3A_53 : vector<1024x1xi32> to vector<1024x16xi32>
      %eq3A_59 = arith.cmpi eq, %iota3A_8, %eq3A_58 : vector<1024x16xi32>
      %broadcast_in_dim3A_60 = vector.shape_cast %broadcast_in_dim3A_38 : vector<1024x1xf32> to vector<1024x1xf32>
      %broadcast_in_dim3A_61 = vector.broadcast %broadcast_in_dim3A_60 : vector<1024x1xf32> to vector<1024x16xf32>
      %select_n3A_62 = arith.select %eq3A_59, %broadcast_in_dim3A_61, %concatenate3A : vector<1024x16xi1>, vector<1024x16xf32>
      %select_n3A_63 = arith.select %lt3A_57, %while3A_33, %select_n3A_62 : vector<1024x16xi1>, vector<1024x16xf32>
      %slice3A_64 = vector.extract_strided_slice %select_n3A_63 {offsets = [0, 9], sizes = [1024, 1], strides = [1, 1]} : vector<1024x16xf32> to vector<1024x1xf32>
      %reduce_max3A_65 = arith.constant dense<0xFF800000> : vector<1024xf32>
      %reduce_max3A_66 = vector.multi_reduction <maximumf>, %select_n3A_48, %reduce_max3A_65 [1] : vector<1024x2000xf32> to vector<1024xf32>
      %broadcast_in_dim3A_67 = vector.shape_cast %reduce_max3A_66 : vector<1024xf32> to vector<1024x1xf32>
      %gt3A_68 = arith.cmpf ogt, %broadcast_in_dim3A_67, %slice3A_64 : vector<1024x1xf32>
      %reduce_or3A_69 = arith.constant 1.000000e+00 : f32
      %reduce_or3A_70 = arith.constant 0.000000e+00 : f32
      %reduce_or3A_71 = vector.broadcast %reduce_or3A_69 : f32 to vector<1024x1xf32>
      %reduce_or3A_72 = vector.broadcast %reduce_or3A_70 : f32 to vector<1024x1xf32>
      %reduce_or3A_73 = arith.select %gt3A_68, %reduce_or3A_71, %reduce_or3A_72 : vector<1024x1xi1>, vector<1024x1xf32>
      %reduce_or3A_74 = vector.shape_cast %reduce_or3A_73 : vector<1024x1xf32> to vector<1x1024x1xf32>
      %reduce_or3A_75 = arith.constant dense<0xFF800000> : vector<1xf32>
      %reduce_or3A_76 = vector.multi_reduction <maximumf>, %reduce_or3A_74, %reduce_or3A_75 [1, 2] : vector<1x1024x1xf32> to vector<1xf32>
      %reduce_or3A_77 = vector.shape_cast %reduce_or3A_76 : vector<1xf32> to vector<1x1x1xf32>
      %reduce_or3A_78 = vector.extract %reduce_or3A_77[0, 0, 0] : f32 from vector<1x1x1xf32>
      %reduce_or3A_79 = arith.constant 0.000000e+00 : f32
      %reduce_or3A_80 = arith.cmpf ogt, %reduce_or3A_78, %reduce_or3A_79 : f32
      %add3A = arith.constant 1 : i32
      %add3A_81 = arith.addi %while3A_35, %add3A : i32
      scf.yield %select_n3A_48, %select_n3A_63, %reduce_or3A_80, %add3A_81 : vector<1024x2000xf32>, vector<1024x16xf32>, i1, i32
    }
    %swap3A = arith.constant 0 : index
    %swap3A_25 = arith.constant 0 : index
    %swap3A_26 = vector.load %arg6[%swap3A, %swap3A_25] : memref<1024x16xf32, #tpu.memory_space<vmem>>, vector<1024x16xf32>
    tpu.vector_store %arg6[%swap3A, %swap3A_25], %while3A_24#1 {strides = array<i32>} : memref<1024x16xf32, #tpu.memory_space<vmem>>, vector<1024x16xf32>,
    %eq3A_27 = arith.constant 49 : i32
    %eq3A_28 = arith.cmpi eq, %arg0, %eq3A_27 : i32
    %convert_element_type3A_29 = arith.extui %eq3A_28 : i1 to i32
    %cond3A_30 = arith.constant 0 : i32
    %cond3A_31 = arith.cmpi ne, %convert_element_type3A_29, %cond3A_30 : i32
    scf.if %cond3A_31 {
      %get3A_32 = arith.constant 0 : index
      %get3A_33 = arith.constant 0 : index
      %get3A_34 = vector.load %arg6[%get3A_32, %get3A_33] : memref<1024x16xf32, #tpu.memory_space<vmem>>, vector<1024x16xf32>
      %slice3A_35 = vector.extract_strided_slice %get3A_34 {offsets = [0, 0], sizes = [1024, 10], strides = [1, 1]} : vector<1024x16xf32> to vector<1024x10xf32>
      %reduce_sum3A = arith.constant dense<0.000000e+00> : vector<1024xf32>
      %reduce_sum3A_36 = vector.multi_reduction <add>, %slice3A_35, %reduce_sum3A [1] : vector<1024x10xf32> to vector<1024xf32>
      %broadcast_in_dim3A_37 = vector.shape_cast %reduce_sum3A_36 : vector<1024xf32> to vector<1024x1xf32>
      %div3A = arith.constant 1.000000e+01 : f32
      %div3A_38 = vector.broadcast %div3A : f32 to vector<1024x1xf32>
      %div3A_39 = arith.divf %broadcast_in_dim3A_37, %div3A_38 : vector<1024x1xf32>
      %swap3A_40 = arith.constant 0 : index
      %swap3A_41 = arith.constant 0 : index
      %swap3A_42 = vector.load %arg3[%swap3A_40, %swap3A_41] : memref<1024x1xf32, #tpu.memory_space<vmem>>, vector<1024x1xf32>
      tpu.vector_store %arg3[%swap3A_40, %swap3A_41], %div3A_39 {strides = array<i32>} : memref<1024x1xf32, #tpu.memory_space<vmem>>, vector<1024x1xf32>,
      %slice3A_43 = vector.extract_strided_slice %get3A_34 {offsets = [0, 0], sizes = [1024, 1], strides = [1, 1]} : vector<1024x16xf32> to vector<1024x1xf32>
      %reduce_max3A_44 = vector.shape_cast %slice3A_43 : vector<1024x1xf32> to vector<1x1024x1xf32>
      %reduce_max3A_45 = arith.constant dense<0xFF800000> : vector<1xf32>
      %reduce_max3A_46 = vector.multi_reduction <maximumf>, %reduce_max3A_44, %reduce_max3A_45 [1, 2] : vector<1x1024x1xf32> to vector<1xf32>
      %reduce_max3A_47 = vector.shape_cast %reduce_max3A_46 : vector<1xf32> to vector<1x1x1xf32>
      %reduce_max3A_48 = vector.extract %reduce_max3A_47[0, 0, 0] : f32 from vector<1x1x1xf32>
      %iota3A_49 = tpu.iota {dimensions = array<i32: 0>} : vector<1024x1xi32>
      %eq3A_50 = vector.broadcast %reduce_max3A_48 : f32 to vector<1024x1xf32>
      %eq3A_51 = arith.cmpf oeq, %slice3A_43, %eq3A_50 : vector<1024x1xf32>
      %jit3A = arith.constant 1024 : i32
      %broadcast_in_dim3A_52 = vector.broadcast %jit3A : i32 to vector<1024x1xi32>
      %select_n3A = arith.select %eq3A_51, %iota3A_49, %broadcast_in_dim3A_52 : vector<1024x1xi1>, vector<1024x1xi32>
      %reduce_min3A = vector.shape_cast %select_n3A : vector<1024x1xi32> to vector<1x1024x1xi32>
      %reduce_min3A_53 = arith.constant dense<2147483647> : vector<1xi32>
      %reduce_min3A_54 = vector.multi_reduction <minsi>, %reduce_min3A, %reduce_min3A_53 [1, 2] : vector<1x1024x1xi32> to vector<1xi32>
      %reduce_min3A_55 = vector.shape_cast %reduce_min3A_54 : vector<1xi32> to vector<1x1x1xi32>
      %reduce_min3A_56 = vector.extract %reduce_min3A_55[0, 0, 0] : i32 from vector<1x1x1xi32>
      %iota3A_57 = tpu.iota {dimensions = array<i32: 1>} : vector<1x1024xi32>
      %eq3A_58 = vector.broadcast %reduce_min3A_56 : i32 to vector<1x1024xi32>
      %eq3A_59 = arith.cmpi eq, %iota3A_57, %eq3A_58 : vector<1x1024xi32>
      %convert_element_type3A_60 = arith.extui %eq3A_59 : vector<1x1024xi1> to vector<1x1024xi32>
      %convert_element_type3A_61 = arith.sitofp %convert_element_type3A_60 : vector<1x1024xi32> to vector<1x1024xf32>
      %get3A_62 = arith.constant 0 : index
      %get3A_63 = arith.constant 0 : index
      %get3A_64 = vector.load %arg1[%get3A_62, %get3A_63] : memref<1024x512xf32, #tpu.memory_space<vmem>>, vector<1024x512xf32>
      %dot_general3A_65 = arith.constant dense<0.000000e+00> : vector<1x512xf32>
      %dot_general3A_66 = tpu.matmul %convert_element_type3A_61, %get3A_64, %dot_general3A_65 {dimension_numbers = #tpu.dot_dimension_numbers<[1], [0], [0], [1], [0, 0, 1, 1], [], []>, transpose_lhs_hint = false} : vector<1x1024xf32>, vector<1024x512xf32>, vector<1x512xf32> -> vector<1x512xf32>
      %swap3A_67 = arith.constant 0 : index
      %swap3A_68 = arith.constant 0 : index
      %swap3A_69 = vector.load %arg4[%swap3A_67, %swap3A_68] : memref<1x512xf32, #tpu.memory_space<vmem>>, vector<1x512xf32>
      tpu.vector_store %arg4[%swap3A_67, %swap3A_68], %dot_general3A_66 {strides = array<i32>} : memref<1x512xf32, #tpu.memory_space<vmem>>, vector<1x512xf32>,
    } else {
    }
    return
  }
  func.func @transform_0(%arg0: i32) -> (i32, i32) {
    %c0_i32 = arith.constant 0 : i32
    %c0_i32_0 = arith.constant 0 : i32
    %c0_i32_1 = arith.constant 0 : i32
    return %c0_i32, %c0_i32_0 : i32, i32
  }
  func.func @transform_1(%arg0: i32) -> (i32, i32) {
    %c0_i32 = arith.constant 0 : i32
    %c0_i32_0 = arith.constant 0 : i32
    return %arg0, %c0_i32 : i32, i32
  }
  func.func @transform_2(%arg0: i32) -> (i32, i32) {
    %c0_i32 = arith.constant 0 : i32
    %c0_i32_0 = arith.constant 0 : i32
    %c0_i32_1 = arith.constant 0 : i32
    return %c0_i32, %c0_i32_0 : i32, i32
  }
  func.func @transform_3(%arg0: i32) -> (i32, i32) {
    %c0_i32 = arith.constant 0 : i32
    %c0_i32_0 = arith.constant 0 : i32
    %c0_i32_1 = arith.constant 0 : i32
    return %c0_i32, %c0_i32_0 : i32, i32
  }
  func.func @transform_4(%arg0: i32) -> (i32, i32) {
    %c0_i32 = arith.constant 0 : i32
    %c0_i32_0 = arith.constant 0 : i32
    %c0_i32_1 = arith.constant 0 : i32
    return %c0_i32, %c0_i32_0 : i32, i32
  }
}

</mosaic_0001>

<sc_bundles>
// kernel: kernel.6.cloned.1.call-start
scs
__scs_entry_jumppad:
0x0: {  	(pc) =	sbr.rel $0x88, $3  }
0x1: {  	(tag) =	ssettag $0x0;
	lr =	simm.s32 $0x1  }
0x2: {  	[smem:$0x3F9D] =	sst lr;
	_ =	strace $0xD0000000  }
0x3: {  	_ = 	snop  }
0x4: {  	_ = 	snop  }
0x5: {  	_ = 	snop  }
0x6: {  	_ = 	snop  }
0x7: {  	_ = 	snop  }
__scs_overlays_trampoline_lowered:
0x8: {  	[smem:$0x3FAC] =	sst s0  }
0x9: {  	[smem:$0x3FAD] =	sst s1  }
0xa: {  	[smem:$0x3FAE] =	sst s2  }
0xb: {  	[smem:$0x3FAF] =	sst s3  }
0xc: {  	[smem:$0x3FB0] =	sst s4  }
0xd: {  	[smem:$0x3FB1] =	sst s5  }
0xe: {  	[smem:$0x3FB2] =	sst s6  }
0xf: {  	[smem:$0x3FB3] =	sst s7  }
0x10: {  	[smem:$0x3FB4] =	sst s8  }
0x11: {  	[smem:$0x3FB5] =	sst s9;
	s0 =	simm.s32 @!p0 $0x0  }
0x12: {  	s1 =	sld [smem:$0x3F9B];
	s0 =	simm.s32 @p0 $0x1  }
0x13: {  	[smem:$0x3FB6] =	sst s0;
	s0 =	simm.s32 @!p1 $0x0  }
0x14: {  	s2 =	sld [smem:$0x3F9A];
	s0 =	simm.s32 @p1 $0x1  }
0x15: {  	[smem:$0x3FB7] =	sst s0;
	s0 =	simm.s32 @!p2 $0x0  }
0x16: {  	s3 =	sld [smem:$0x3FDB];
	s0 =	simm.s32 @p2 $0x1  }
0x17: {  	s4 =	simm.s32 $0x1BF5;
	[smem:$0x3FB9] =	sst s0  }
0x18: {  	s0 =	sld [smem:$0x3F9C];
	_ =	swait.ge [sflag:s4], $0x0  }
0x19: {  	s7 =	sld [smem:$0x3F9D]  }
0x1a: {  	s8 =	sadd.s32 $0xFFFFE003, lr  }
0x1b: {  	s9 =	sadd.s32 $0xFFFFFEF7, lr;
	s5 =	simm.s32 $0xFFFFFFFF;
	p2 =	slt.u32 s8, $0xFFFFF086  }
0x1c: {  	p1 =	slt.u32 s9, $0xF7A;
	s5 =	simm.s32 @!p2 $0x0  }
0x1d: {  	s5 =	simm.s32 @p1 $0x1;
	p0 =	seq.s32 s7, s2  }
0x1e: {  	s7 =	smul.u32 @!p0 $0xF7A, s2;
	p2 =	seq.s32 @!p0 s5, $0x0  }
0x1f: {  	s9 =	smul.u32 $0xF7A, s1;
	s8 =	simm.s32 @!p0 $0x1BF5;
	p2 =	por !p2, p0  }
0x20: {  	[sflag:s8] =	ssyncset.s32 @!p0 $0xFFFFF086;
	s6 =	sadd.s32 @!p0 s3, s7;
	s7 =	simm.s32 @!p0 $0x108  }
0x21: {  	s3 =	sadd.s32 s3, s9;
	s6 =	sadd.s32 @!p0 $0x88, s6;
	s7 =	simm.s32 @p2 $0x1082  }
0x22: {  	[simem:s7], [sflag:s8] =	dma.local @!p0 [hbm:s6], $0xF7A  }
0x23: {  	s9 =	sor.u32 $0xD0000000, s2;
	s6 =	simm.s32 $0x108;
	_ =	swait.ge @!p0 [sflag:s8], $0x0  }
0x24: {  	s3 =	sadd.s32 $0x88, s3;
	s6 =	simm.s32 @!p1 $0x1082;
	[sflag:s4] =	ssyncset.s32 $0xFFFFF086  }
0x25: {  	[simem:s6], [sflag:s4] =	dma.local [hbm:s3], $0xF7A  }
0x26: {  	[smem:$0x3F9D] =	sst s1;
	(tag) =	ssettag s2;
	_ =	strace s9  }
0x27: {  	s1 =	sld [smem:$0x3FAD]  }
0x28: {  	s2 =	sld [smem:$0x3FAE]  }
0x29: {  	s4 =	sld [smem:$0x3FB0]  }
0x2a: {  	p0 =	seq.s32 s5, $0x0;
	s5 =	sld [smem:$0x3FB1]  }
0x2b: {  	s6 =	sld [smem:$0x3FB2]  }
0x2c: {  	s7 =	sld [smem:$0x3FB3]  }
0x2d: {  	s3 =	simm.s32 $0x108;
	s8 =	sld [smem:$0x3FB4]  }
0x2e: {  	s3 =	simm.s32 @!p0 $0x1082;
	s9 =	sld [smem:$0x3FB5]  }
0x2f: {  	lr =	sadd.s32 s0, s3;
	s0 =	sld [smem:$0x3FAC]  }
0x30: {  	s3 =	sld [smem:$0x3FAF]  }
0x31: {  	[smem:$0x3FB8] =	sst s10  }
0x32: {  	s10 =	sld [smem:$0x3FB6];
	_ =	sdelay $0x3  }
0x33: {  	p0 =	seq.s32 s10, $0x1;
	s10 =	sld [smem:$0x3FB8];
	_ =	sdelay $0x3  }
0x34: {  	[smem:$0x3FB8] =	sst s10  }
0x35: {  	s10 =	sld [smem:$0x3FB7];
	_ =	sdelay $0x3  }
0x36: {  	p1 =	seq.s32 s10, $0x1;
	s10 =	sld [smem:$0x3FB8];
	_ =	sdelay $0x3  }
0x37: {  	[smem:$0x3FB8] =	sst s10  }
0x38: {  	s10 =	sld [smem:$0x3FB9]  }
0x39: {  	_ = 	snop;
	(pc) =	sbr.ind lr, $3  }
0x3a: {  	_ = 	snop  }
0x3b: {  	_ = 	snop  }
0x3c: {  	p2 =	seq.s32 s10, $0x1;
	s10 =	sld [smem:$0x3FB8]  }
0x3d: {  	_ =	shalt  }
0x3e: {  	_ =	shalt  }
0x3f: {  	_ =	shalt  }
0x40: {  	_ =	shalt  }
0x41: {  	_ =	shalt  }
0x42: {  	_ =	shalt  }
0x43: {  	_ =	shalt  }
0x44: {  	_ =	shalt  }
0x45: {  	_ =	shalt  }
0x46: {  	_ =	shalt  }
0x47: {  	_ =	shalt  }
0x48: {  	_ =	shalt  }
0x49: {  	_ =	shalt  }
0x4a: {  	_ =	shalt  }
0x4b: {  	_ =	shalt  }
0x4c: {  	_ =	shalt  }
0x4d: {  	_ =	shalt  }
0x4e: {  	_ =	shalt  }
0x4f: {  	_ =	shalt  }
0x50: {  	_ =	shalt  }
0x51: {  	_ =	shalt  }
0x52: {  	_ =	shalt  }
0x53: {  	_ =	shalt  }
0x54: {  	_ =	shalt  }
0x55: {  	_ =	shalt  }
0x56: {  	_ =	shalt  }
0x57: {  	_ =	shalt  }
0x58: {  	_ =	shalt  }
0x59: {  	_ =	shalt  }
0x5a: {  	_ =	shalt  }
0x5b: {  	_ =	shalt  }
0x5c: {  	_ =	shalt  }
0x5d: {  	_ =	shalt  }
0x5e: {  	_ =	shalt  }
0x5f: {  	_ =	shalt  }
0x60: {  	_ =	shalt  }
0x61: {  	_ =	shalt  }
0x62: {  	_ =	shalt  }
0x63: {  	_ =	shalt  }
0x64: {  	_ =	shalt  }
0x65: {  	_ =	shalt  }
0x66: {  	_ =	shalt  }
0x67: {  	_ =	shalt  }
0x68: {  	_ =	shalt  }
0x69: {  	_ =	shalt  }
0x6a: {  	_ =	shalt  }
0x6b: {  	_ =	shalt  }
0x6c: {  	_ =	shalt  }
0x6d: {  	_ =	shalt  }
0x6e: {  	_ =	shalt  }
0x6f: {  	_ =	shalt  }
0x70: {  	_ =	shalt  }
0x71: {  	_ =	shalt  }
0x72: {  	_ =	shalt  }
0x73: {  	_ =	shalt  }
0x74: {  	_ =	shalt  }
0x75: {  	_ =	shalt  }
0x76: {  	_ =	shalt  }
0x77: {  	_ =	shalt  }
0x78: {  	_ =	shalt  }
0x79: {  	_ =	shalt  }
0x7a: {  	_ =	shalt  }
0x7b: {  	_ =	shalt  }
0x7c: {  	_ =	shalt  }
0x7d: {  	_ =	shalt  }
0x7e: {  	_ =	shalt  }
0x7f: {  	_ =	shalt  }
0x80: {  	_ =	shalt  }
0x81: {  	_ =	shalt  }
0x82: {  	_ =	shalt  }
0x83: {  	_ =	shalt  }
0x84: {  	_ =	shalt  }
0x85: {  	_ =	shalt  }
0x86: {  	_ =	shalt  }
0x87: {  	_ =	shalt  }
.Lfunc_end0:
.L_simem_size_0:
called_computation_lowered:
.L_overlay_start_0:
0x88: {  	s2 =	sld [smem:$0x3FD9]  }
0x89: {  	s3 =	sld [smem:$0x3FFE];
	_ =	sdelay $0x1  }
0x8a: {  	s1 =	srdreg.scid  }
0x8b: {  	s0 =	sand.u32 $0x1, s1  }
0x8c: {  	s14 =	sshll.u32 s0, $0xA;
	s2 =	sadd.s32 s3, s2  }
0x8d: {  	s2 =	sadd.s32 s2, s14  }
0x8e: {  	[smem:$0x3FC4] =	sst s2  }
0x8f: {  	_ = 	snop  }
0x90: {  	s2 =	sld [smem:$0x3FD0];
	_ =	sdelay $0x2  }
0x91: {  	s4 =	simm.s32 $0xA;
	s5 =	simm.s32 $0x10;
	s15 =	sld [smem:$0x3FC8]  }
0x92: {  	[smem:s5], [sflag:s4] =	dma.local [hbm:s2], $0x1  }
0x93: {  	_ =	swait.eq [sflag:s4], $0x1  }
0x94: {  	[sflag:s4] =	ssyncset.done $0x0  }
0x95: {  	[sflag:s4] =	ssyncadd.s32 $0xFFFFFFFF  }
0x96: {  	s16 =	sld [smem:$0x10];
	(tm) =	ssettm $0x1  }
0x97: {  	s17 =	sld [smem:$0x3FFB];
	_ =	sdelay $0x3  }
0x98: {  	_ =	strace s17  }
0x99: {  	s4 =	sld [smem:$0x3FFC];
	_ =	sdelay $0x3  }
0x9a: {  	_ =	strace s4  }
0x9b: {  	s4 =	sld [smem:$0x3FFD];
	_ =	sdelay $0x3  }
0x9c: {  	_ =	strace s4  }
0x9d: {  	_ =	strace $0x8FFFFFFF  }
0x9e: {  	s18 =	sld [smem:$0x3FDB];
	_ =	sdelay $0x1  }
0x9f: {  	s19 =	simm.s32 $_scs_section_size  }
0xa0: {  	s6 =	simm.s32 $_size__tile_overlayer_lowered;
	s7 =	simm.s32 $_tile_overlayer_lowered  }
0xa1: {  	s22 =	simm.s32 $0x1BFF;
	s21 =	sshll.u32 s7, $0x1;
	s4 =	sadd.s32 s19, s18  }
0xa2: {  	s8 =	simm.s32 $0x0;
	s20 =	sshll.u32 s6, $0x1;
	s6 =	sadd.s32 s21, s4  }
0xa3: {  	[timem:s8], [sflag:s22] =	dma.local [hbm:s6], s20  }
0xa4: {  	_ =	swait.ge [sflag:s22], s20  }
0xa5: {  	s5 =	ssub.s32 $0x0, s20;
	[sflag:s22] =	ssyncset.done $0x0  }
0xa6: {  	[sflag:s22] =	ssyncadd.s32 s5;
	_ =	sdelay $0x1  }
0xa7: {  	s23 =	simm.s32 $0x1B8B  }
0xa8: {  	_ =	swait.ge [sflag:s23], $0x1  }
0xa9: {  	[sflag:s23] =	ssyncset.done $0x0  }
0xaa: {  	s25 =	simm.s32 $0x1B8E;
	s24 =	sld [smem:$0x3FFE];
	[sflag:s23] =	ssyncadd.s32 $0xFFFFFFFF  }
0xab: {  	s26 =	simm.s32 $execute0_lowered;
	[smem:$0x3FD2] =	sst s25  }
0xac: {  	s6 =	sshll.u32 s26, $0x1;
	_ =	strace $0x80000046;
	[dreg:$0x1] =	wrdreg $0xFFFFFFFF  }
0xad: {  	s28 =	simm.s32 $_size_execute0_lowered;
	s4 =	sadd.s32 s4, s6;
	[dreg:$0x0] =	wrdreg $0x0  }
0xae: {  	s6 =	sshll.u32 s28, $0x1;
	[dreg:$0x2] =	wrdreg s4  }
0xaf: {  	[dreg:$0x3] =	wrdreg s6  }
0xb0: {  	[dreg:$0x4] =	wrdreg $0xC0  }
0xb1: {  	_ =	task [dreg:s8], $0x5FFFF  }
0xb2: {  	[dreg:$0x1] =	wrdreg $0xFFFFFFFF  }
0xb3: {  	[dreg:$0x0] =	wrdreg $0x60  }
0xb4: {  	[dreg:$0x2] =	wrdreg s15  }
0xb5: {  	[dreg:$0x3] =	wrdreg s16  }
0xb6: {  	[dreg:$0x4] =	wrdreg s24  }
0xb7: {  	[dreg:$0x5] =	wrdreg $0x9  }
0xb8: {  	_ =	task.clear_ibuf [dreg:s8], $0x6FFFF;
	_ =	strace $0x90000046  }
0xb9: {  	s29 =	simm.s32 $0x9;
	_ =	strace $0x80000048  }
0xba: {  	_ =	swait.ge [sflag:s29], $0x1  }
0xbb: {  	[sflag:s29] =	ssyncadd.s32 $0xFFFFFFFF  }
0xbc: {  	_ =	strace $0x90000048  }
0xbd: {  	_ =	sfence  }
0xbe: {  	s30 =	sld [smem:$0x0];
	_ =	sdelay $0x2  }
0xbf: {  	s31 =	sshll.u32 s1, $0xD;
	s1 =	sshrl.u32 s1, $0x2  }
0xc0: {  	s3 =	sand.u32 $0x4000, s31;
	s1 =	sadd.s32 s1, s30  }
0xc1: {  	s0 =	sor.u32 s3, s0;
	s1 =	sshll.u32 s1, $0x11  }
0xc2: {  	s0 =	sor.u32 s1, s0  }
0xc3: {  	s0 =	sadd.s32 $0x8F2B, s0  }
0xc4: {  	[sflag:s0] =	ssyncadd.remote.s32 $0x1  }
0xc5: {  	_ =	sfence.sel $0xFFFF  }
0xc6: {  	[dreg:$0x0] =	wrdreg $0xFFFFFFFF;
	(pc) =	sbr.abs _section_cstart, $3  }
0xc7: {  	[dreg:$0x1] =	wrdreg $0xFFFFFFFF  }
0xc8: {  	_ =	task.clear_ibuf [dreg:s8], $0x2FFFF;
	_ =	strace $0x9FFFFFFF  }
0xc9: {  	(tm) =	ssettm $0x7FFFFFFF  }
tec
execute0_lowered:
.L_overlay_start_1:
0x0: {  	(tag) =	ssettag $0x1  }
0x1: {  	s1 =	stileid.u32  }
0x2: {  	p0 =	sgt.u32 s1, $0x3  }
.Ltmp0:
0x3: {  	s2 =	rddreg [dreg:$0x0];
	(pc) =	sbr.rel @p0 .LBB2_4-.Ltmp0, $4  }
0x4: {  	s4 =	rddreg [dreg:$0x1]  }
0x5: {  	s10 =	rddreg [dreg:$0x2];
	s3 =	simm.s32 $0x0  }
0x6: {  	[smem:$0x7FF] =	sst s3  }
0x7: {  	s0 =	rddreg [dreg:$0x3];
	_ =	strace $0x80000047  }
0x8: {  	s5 =	srdreg.scid  }
0x9: {  	s30 =	sshll.u32 s1, $0x1;
	s8 =	sand.u32 $0x1, s5  }
0xa: {  	s11 =	sor.u32 s8, s30  }
0xb: {  	s5 =	sadd.s32 s4, s11;
	s4 =	simm.s32 $0x2  }
0xc: {  	[tilespmem:s3], [sflag:$0x2] =	stream.linear.gather [hbm4b:s5+s3], $0x8, $0x38;
	[tilespmem:$0x1080] =	vst v63  }
0xd: {  	_ =	swait.ge [sflag:s4], $0x8  }
0xe: {  	[sflag:s4] =	ssyncset.done $0x0  }
0xf: {  	[sflag:s4] =	ssyncadd.s32 $0xFFFFFFF8  }
0x10: {  	v0 =	vld.msk [tilespmem:$0x0], $0xff;
	_ =	sdelay $0x4  }
0x11: {  	v1 =	vshll.u32 v0, $0x2  }
0x12: {  	v2 =	vlaneseq.u32;
	v3 =	vand.u32 $0x7, v0;
	v1 =	vand.u32 $0xFFFFFFE0, v1  }
0x13: {  	v0 =	vand.u32 $0x7, v2;
	v2 =	vshrl.u32 v2, $0x3;
	v3 =	vor.u32 v3, v1  }
0x14: {  	v1 =	vmul.u32 $0x8, v2;
	v2 =	vperm.xlane v3, v0;
	_ =	sdelay $0x1  }
0x15: {  	v2 =	vadd.s32 v1, v2;
	_ =	sdelay $0x1  }
0x16: {  	s12 =	ssub.s32 $0x2, s8  }
0x17: {  	s6 =	sadd.s32 $0x100, s2;
	s7 =	simm.s32 $0x80;
	s13 =	sshrl.u32 s12, $0x1  }
0x18: {  	vm0 =	vmmov $0xffff;
	s9 =	simm.s32 $0x1;
	s11 =	sshll.u32 s11, $0x9;
	s31 =	ssub.s32 s12, s13  }
0x19: {  	[tilespmem:s7], [sflag:$0x1] =	stream.indirect_vreg.gather [hbm4b:s2+s3], $0x80, v2, vm0, $0xb8;
	[tilespmem:$0x1080] =	vst v63  }
0x1a: {  	s8 =	simm.s32 $0x880;
	s10 =	sadd.s32 s11, s10;
	s11 =	smax.u32 s31, $0x1  }
0x1b: {  	[tilespmem:s8], [sflag:$0x1] =	stream.indirect_vreg.gather [hbm4b:s6+s3], $0x80, v2, vm0, $0xb8;
	[tilespmem:$0x1080] =	vst v63  }
0x1c: {  	p0 =	sne.s32 s11, $0x1;
	_ =	swait.ge [sflag:s9], $0x1000  }
.Ltmp1:
0x1d: {  	[sflag:s9] =	ssyncset.done $0x0;
	(pc) =	sbr.rel @!p0 .LBB2_3-.Ltmp1, $4  }
0x1e: {  	s10 =	sadd.s32 $0x4E00, s10;
	[sflag:s9] =	ssyncadd.s32 $0xFFFFF000  }
0x1f: {  	[hbm4b:s10+s3] =	stream.linear.scatter [tilespmem:s7], [sflag:$0x2], $0x1000, $0x38;
	[tilespmem:$0x1080] =	vst v63  }
0x20: {  	_ =	swait.ge [sflag:s4], $0x1000  }
0x21: {  	s11 =	sadd.s32 $0xFFFFFFFF, s11;
	[sflag:s4] =	ssyncset.done $0x0  }
.LBB2_2:
0x22: {  	p0 =	sne.s32 s11, $0x1;
	s11 =	sadd.s32 $0xFFFFFFFF, s11;
	[sflag:s4] =	ssyncadd.s32 $0xFFFFF000  }
0x23: {  	[tilespmem:s3], [sflag:$0x2] =	stream.linear.gather [hbm4b:s5+s3], $0x8, $0x38;
	[tilespmem:$0x1080] =	vst v63  }
0x24: {  	_ =	swait.ge [sflag:s4], $0x8  }
0x25: {  	[sflag:s4] =	ssyncset.done $0x0  }
0x26: {  	[sflag:s4] =	ssyncadd.s32 $0xFFFFFFF8  }
0x27: {  	v2 =	vld.msk [tilespmem:$0x0], $0xff;
	_ =	sdelay $0x4  }
0x28: {  	v3 =	vshll.u32 v2, $0x2  }
0x29: {  	v2 =	vand.u32 $0x7, v2;
	v3 =	vand.u32 $0xFFFFFFE0, v3  }
0x2a: {  	v2 =	vor.u32 v2, v3  }
0x2b: {  	v2 =	vperm.xlane v2, v0;
	_ =	sdelay $0x1  }
0x2c: {  	v2 =	vadd.s32 v1, v2;
	_ =	sdelay $0x4  }
0x2d: {  	[tilespmem:s7], [sflag:$0x1] =	stream.indirect_vreg.gather [hbm4b:s2+s3], $0x80, v2, vm0, $0xb8;
	[tilespmem:$0x1080] =	vst v63  }
0x2e: {  	_ = 	snop  }
0x2f: {  	[tilespmem:s8], [sflag:$0x1] =	stream.indirect_vreg.gather [hbm4b:s6+s3], $0x80, v2, vm0, $0xb8;
	[tilespmem:$0x1080] =	vst v63  }
0x30: {  	_ =	swait.ge [sflag:s9], $0x1000  }
.Ltmp2:
0x31: {  	[sflag:s9] =	ssyncset.done $0x0;
	(pc) =	sbr.rel @p0 .LBB2_2-.Ltmp2, $4  }
0x32: {  	[sflag:s9] =	ssyncadd.s32 $0xFFFFF000  }
0x33: {  	[hbm4b:s10+s3] =	stream.linear.scatter [tilespmem:s7], [sflag:$0x2], $0x1000, $0x38;
	[tilespmem:$0x1080] =	vst v63  }
0x34: {  	_ =	swait.ge [sflag:s4], $0x1000  }
0x35: {  	[sflag:s4] =	ssyncset.done $0x0  }
.LBB2_3:
0x36: {  	[sflag:s4] =	ssyncadd.s32 $0xFFFFF000  }
.LBB2_4:
0x37: {  	_ =	sfence.sel $0x180000  }
0x38: {  	[bflag:$0x0] =	sbarrier.arrive $0xFFFF  }
0x39: {  	p0 =	sne.s32 s1, $0x0;
	_ =	strace $0x90000047  }
0x3a: {  	s0 =	sadd.s32 @!p0 $0x100000, s0;
	[bflag:$0x2] =	sbarrier.arrive $0xFFFF  }
0x3b: {  	[sflag:s0] =	ssyncadd.tile.s32 @!p0 $0x1;
	_ =	shalt  }
.Lfunc_end2:
_tile_overlayer_lowered:
.L_overlay_start_2:
0x3c: {  	(tag) =	ssettag $0x2  }
0x3d: {  	s0 =	rddreg [dreg:$0x0];
	s2 =	stileid.u32  }
0x3e: {  	s1 =	rddreg [dreg:$0x1];
	p0 =	sne.s32 s2, $0x0  }
0x3f: {  	s3 =	rddreg [dreg:$0x2];
	[bflag:$0x3] =	sbarrier.arrive $0xFFFF;
	s2 =	simm.s32 @!p0 $0x1C02  }
0x40: {  	[timem:s3], [sflag:s2] =	dma.local @!p0 [hbm:s0], s1  }
0x41: {  	s0 =	simm.s32 @!p0 $0x2  }
0x42: {  	_ =	swait.ge @!p0 [sflag:s0], s1  }
0x43: {  	s1 =	ssub.s32 @!p0 $0x0, s1;
	[sflag:s0] =	ssyncset.done @!p0 $0x0  }
0x44: {  	[sflag:s0] =	ssyncadd.s32 @!p0 s1  }
0x45: {  	[bflag:$0x3] =	sbarrier.arrive $0xFFFF  }
0x46: {  	_ =	shalt  }

</sc_bundles>
